<compile_context>
chip_gen: v7x
topology: tpu7x:2x2x1
jax: 0.10.2.dev20260603
libtpu: 0.0.44.dev20260713+nightly
codegen_flags: <defaults>
</compile_context>

<pallas_src>
import functools

import jax
import jax.numpy as jnp
from jax import lax
from jax.experimental import pallas as pl
from jax.experimental.pallas import tpu as pltpu
from jax.experimental.pallas import tpu_sc as plsc

_VOCAB = 1000000
_D = 64
_BATCH = 16384
_HIST = 50
_B = _BATCH * _HIST

_NC = 2
_NS = 16
_NW = _NC * _NS
_B_PER_W = _B // _NW
_CHUNK = 512
_NCHUNK = _B_PER_W // _CHUNK

_mesh = plsc.VectorSubcoreMesh(core_axis_name="c", subcore_axis_name="s")


@functools.partial(
    pl.kernel,
    mesh=_mesh,
    out_type=jax.ShapeDtypeStruct((_HIST, _BATCH, _D), jnp.float32),
    compiler_params=pltpu.CompilerParams(use_tc_tiling_on_sc=False),
    scratch_types=[
        pltpu.VMEM((_B_PER_W,), jnp.int32),
        pltpu.VMEM((3, 1, _CHUNK, _D), jnp.float32),
        pltpu.SemaphoreType.DMA,
        pltpu.SemaphoreType.DMA,
        pltpu.SemaphoreType.DMA,
        pltpu.SemaphoreType.DMA,
        pltpu.SemaphoreType.DMA,
        pltpu.SemaphoreType.DMA,
    ],
)
def _gather_rows(
    idx_hbm, table_hbm, out_hbm, idx_v, rows_v, g0, g1, g2, w0, w1, w2
):
    wid = lax.axis_index("s") * _NC + lax.axis_index("c")
    base = wid * _B_PER_W
    gsem = (g0, g1, g2)
    wsem = (w0, w1, w2)

    pltpu.sync_copy(idx_hbm.at[pl.ds(base, _B_PER_W)], idx_v)

    def _fire_gather(i, b):
        pltpu.async_copy(
            table_hbm.at[idx_v.at[pl.ds(i * _CHUNK, _CHUNK)]],
            rows_v.at[b, 0],
            gsem[b],
        )

    def _out_window(i):
        k = base + i * _CHUNK
        h = k // _BATCH
        b0 = k - h * _BATCH
        return out_hbm.at[pl.ds(h, 1), pl.ds(b0, _CHUNK)]

    for b in range(3):
        _fire_gather(b, b)

    def step(j, _):
        for b in range(3):
            i = j * 3 + b

            @pl.when(i < _NCHUNK)
            def _():
                pltpu.make_async_copy(
                    table_hbm.at[idx_v.at[pl.ds(0, _CHUNK)]],
                    rows_v.at[b, 0],
                    gsem[b],
                ).wait()
                pltpu.async_copy(rows_v.at[b], _out_window(i), wsem[b])

                @pl.when(i + 3 < _NCHUNK)
                def _():
                    pltpu.make_async_copy(
                        rows_v.at[b], _out_window(0), wsem[b]
                    ).wait()
                    _fire_gather(i + 3, b)

        return 0

    lax.fori_loop(0, (_NCHUNK + 2) // 3, step, 0)

    for b in range(3):
        pltpu.make_async_copy(rows_v.at[b], _out_window(0), wsem[b]).wait()


def kernel(inputs, table):
    idx = inputs.T.reshape(_B).astype(jnp.int32)
    out_t = _gather_rows(idx, table)
    return out_t.transpose(1, 0, 2)

# --- scband reference (transcript-rebuilt; emitter-appended) ---
"""Pipeline reference for scband-state-encode-model-10840497455668 (READ-ONLY COPY).

The authoritative reference and input builder live on the scoring server;
editing this copy changes nothing except your own understanding.
"""

import jax, jax.numpy as jnp
import numpy as np

VOCAB = 1000000
EMBED_DIM = 64
BATCH = 16384
HIST = 50

def setup_inputs(seed: int = 0) -> dict:
    key = jax.random.key(seed)
    k_idx, k_tab = jax.random.split(key)
    inputs = jax.random.randint(k_idx, (BATCH, HIST), 0, VOCAB, dtype=jnp.int64 if jax.config.jax_enable_x64 else jnp.int32)
    table = jax.random.normal(k_tab, (VOCAB, EMBED_DIM), dtype=jnp.float32)
    return {"inputs": inputs, "table": table}

def reference(inputs, table):
    # nn.Embedding forward: row gather from the embedding table
    embeds = jnp.take(table, inputs, axis=0)
    return embeds

if __name__ == "__main__":
    import jax
    _d = setup_inputs()
    print(jax.jit(kernel)(*tuple(_d.values())))

</pallas_src>

<mosaic_0001>
#map = affine_map<(d0, d1) -> (0)>
#map1 = affine_map<(d0, d1) -> (0, 0)>
#map2 = affine_map<(d0, d1) -> (0, 0, 0)>
module attributes {stable_mosaic.version = 14 : i64} {
  func.func @_gather_rows(%arg0: i32, %arg1: i32, %arg2: memref<819200xi32, #tpu.memory_space<hbm>>, %arg3: memref<1000000x64xf32, #tpu.memory_space<hbm>>, %arg4: memref<50x16384x64xf32, #tpu.memory_space<hbm>>, %arg5: memref<25600xi32, #tpu.memory_space<vmem>>, %arg6: memref<3x1x512x64xf32, #tpu.memory_space<vmem>>, %arg7: memref<!tpu.dma_semaphore, #tpu.memory_space<semaphore_mem>>, %arg8: memref<!tpu.dma_semaphore, #tpu.memory_space<semaphore_mem>>, %arg9: memref<!tpu.dma_semaphore, #tpu.memory_space<semaphore_mem>>, %arg10: memref<!tpu.dma_semaphore, #tpu.memory_space<semaphore_mem>>, %arg11: memref<!tpu.dma_semaphore, #tpu.memory_space<semaphore_mem>>, %arg12: memref<!tpu.dma_semaphore, #tpu.memory_space<semaphore_mem>>) attributes {dimension_semantics = [#tpu.dimension_semantics<core_parallel>, #tpu.dimension_semantics<subcore_parallel>], iteration_bounds = array<i64: 2, 16>, scalar_prefetch = 0 : i64, scratch_operands = 8 : i64, tpu.core_type = #tpu.core_type<sc_vector_subcore>, window_params = [{transform_indices = #map}, {transform_indices = #map1}, {transform_indices = #map2}]} {
    %mul3A = arith.constant 2 : i32
    %mul3A_0 = arith.muli %arg1, %mul3A : i32
    %add3A = arith.addi %mul3A_0, %arg0 : i32
    %mul3A_1 = arith.constant 25600 : i32
    %mul3A_2 = arith.muli %add3A, %mul3A_1 : i32
    "tpu.region"() ({
      %run_scoped3A = tpu.sem_alloc : memref<!tpu.dma_semaphore, #tpu.memory_space<semaphore_mem>>
      %dma_start3A_164 = tpu.memref_slice %arg2[%mul3A_2] : memref<819200xi32, #tpu.memory_space<hbm>> -> memref<25600xi32, #tpu.memory_space<hbm>>
      %dma_start3A_165 = tpu.memref_slice %arg2[%mul3A_2] : memref<819200xi32, #tpu.memory_space<hbm>> -> memref<25600xi32, #tpu.memory_space<hbm>>
      tpu.enqueue_dma source(%dma_start3A_165 : memref<25600xi32, #tpu.memory_space<hbm>>) target(%arg5 : memref<25600xi32, #tpu.memory_space<vmem>>) target_semaphore(%run_scoped3A : memref<!tpu.dma_semaphore, #tpu.memory_space<semaphore_mem>>)
      %dma_wait3A_166 = tpu.memref_slice %arg2[%mul3A_2] : memref<819200xi32, #tpu.memory_space<hbm>> -> memref<25600xi32, #tpu.memory_space<hbm>>
      %dma_wait3A_167 = tpu.memref_slice %arg2[%mul3A_2] : memref<819200xi32, #tpu.memory_space<hbm>> -> memref<25600xi32, #tpu.memory_space<hbm>>
      tpu.wait_dma2 semaphore(%run_scoped3A : memref<!tpu.dma_semaphore, #tpu.memory_space<semaphore_mem>>) src(%dma_wait3A_167 : memref<25600xi32, #tpu.memory_space<hbm>>) dst(%arg5 : memref<25600xi32, #tpu.memory_space<vmem>>)
      tpu.yield
    }) : () -> ()
    %dma_start3A = arith.constant 0 : i32
    %dma_start3A_3 = arith.constant 0 : i32
    %dma_start3A_4 = arith.constant 0 : i32
    %dma_start3A_5 = arith.constant 0 : i32
    %dma_start3A_6 = tpu.memref_slice %arg6[%dma_start3A, %dma_start3A_3, %dma_start3A_4, %dma_start3A_5] : memref<3x1x512x64xf32, #tpu.memory_space<vmem>> -> memref<1x1x512x64xf32, #tpu.memory_space<vmem>>
    %dma_start3A_7 = tpu.memref_squeeze %dma_start3A_6 : memref<1x1x512x64xf32, #tpu.memory_space<vmem>> -> memref<512x64xf32, #tpu.memory_space<vmem>>
    %dma_start3A_8 = arith.constant 0 : i32
    %dma_start3A_9 = tpu.memref_slice %arg5[%dma_start3A_8] : memref<25600xi32, #tpu.memory_space<vmem>> -> memref<512xi32, #tpu.memory_space<vmem>>
    %dma_start3A_10 = arith.constant 0 : i32
    %dma_start3A_11 = arith.constant 0 : i32
    %dma_start3A_12 = tpu.memref_slice %arg3[%dma_start3A_10, %dma_start3A_11] : memref<1000000x64xf32, #tpu.memory_space<hbm>> -> memref<1000000x64xf32, #tpu.memory_space<hbm>>
    tpu.enqueue_indirect_dma source(%dma_start3A_12 : memref<1000000x64xf32, #tpu.memory_space<hbm>>) target(%dma_start3A_7 : memref<512x64xf32, #tpu.memory_space<vmem>>) offsets(%dma_start3A_9 : memref<512xi32, #tpu.memory_space<vmem>>) semaphore(%arg7 : memref<!tpu.dma_semaphore, #tpu.memory_space<semaphore_mem>>)
    %dma_start3A_13 = arith.constant 1 : i32
    %dma_start3A_14 = arith.constant 0 : i32
    %dma_start3A_15 = arith.constant 0 : i32
    %dma_start3A_16 = arith.constant 0 : i32
    %dma_start3A_17 = tpu.memref_slice %arg6[%dma_start3A_13, %dma_start3A_14, %dma_start3A_15, %dma_start3A_16] : memref<3x1x512x64xf32, #tpu.memory_space<vmem>> -> memref<1x1x512x64xf32, #tpu.memory_space<vmem>>
    %dma_start3A_18 = tpu.memref_squeeze %dma_start3A_17 : memref<1x1x512x64xf32, #tpu.memory_space<vmem>> -> memref<512x64xf32, #tpu.memory_space<vmem>>
    %dma_start3A_19 = arith.constant 512 : i32
    %dma_start3A_20 = tpu.memref_slice %arg5[%dma_start3A_19] : memref<25600xi32, #tpu.memory_space<vmem>> -> memref<512xi32, #tpu.memory_space<vmem>>
    %dma_start3A_21 = arith.constant 0 : i32
    %dma_start3A_22 = arith.constant 0 : i32
    %dma_start3A_23 = tpu.memref_slice %arg3[%dma_start3A_21, %dma_start3A_22] : memref<1000000x64xf32, #tpu.memory_space<hbm>> -> memref<1000000x64xf32, #tpu.memory_space<hbm>>
    tpu.enqueue_indirect_dma source(%dma_start3A_23 : memref<1000000x64xf32, #tpu.memory_space<hbm>>) target(%dma_start3A_18 : memref<512x64xf32, #tpu.memory_space<vmem>>) offsets(%dma_start3A_20 : memref<512xi32, #tpu.memory_space<vmem>>) semaphore(%arg8 : memref<!tpu.dma_semaphore, #tpu.memory_space<semaphore_mem>>)
    %dma_start3A_24 = arith.constant 2 : i32
    %dma_start3A_25 = arith.constant 0 : i32
    %dma_start3A_26 = arith.constant 0 : i32
    %dma_start3A_27 = arith.constant 0 : i32
    %dma_start3A_28 = tpu.memref_slice %arg6[%dma_start3A_24, %dma_start3A_25, %dma_start3A_26, %dma_start3A_27] : memref<3x1x512x64xf32, #tpu.memory_space<vmem>> -> memref<1x1x512x64xf32, #tpu.memory_space<vmem>>
    %dma_start3A_29 = tpu.memref_squeeze %dma_start3A_28 : memref<1x1x512x64xf32, #tpu.memory_space<vmem>> -> memref<512x64xf32, #tpu.memory_space<vmem>>
    %dma_start3A_30 = arith.constant 1024 : i32
    %dma_start3A_31 = tpu.memref_slice %arg5[%dma_start3A_30] : memref<25600xi32, #tpu.memory_space<vmem>> -> memref<512xi32, #tpu.memory_space<vmem>>
    %dma_start3A_32 = arith.constant 0 : i32
    %dma_start3A_33 = arith.constant 0 : i32
    %dma_start3A_34 = tpu.memref_slice %arg3[%dma_start3A_32, %dma_start3A_33] : memref<1000000x64xf32, #tpu.memory_space<hbm>> -> memref<1000000x64xf32, #tpu.memory_space<hbm>>
    tpu.enqueue_indirect_dma source(%dma_start3A_34 : memref<1000000x64xf32, #tpu.memory_space<hbm>>) target(%dma_start3A_29 : memref<512x64xf32, #tpu.memory_space<vmem>>) offsets(%dma_start3A_31 : memref<512xi32, #tpu.memory_space<vmem>>) semaphore(%arg9 : memref<!tpu.dma_semaphore, #tpu.memory_space<semaphore_mem>>)
    %scan3A = arith.constant 0 : i32
    %scan3A_35 = arith.constant 0 : i32
    %scan3A_36 = arith.constant 17 : i32
    %scan3A_37 = arith.addi %scan3A_35, %scan3A_36 : i32
    %scan3A_38 = arith.constant 1 : i32
    %scan3A_39 = scf.for %scan3A_164 = %scan3A_35 to %scan3A_37 step %scan3A_38 iter_args(%scan3A_165 = %scan3A) -> (i32)  : i32 {
      %mul3A_166 = arith.constant 3 : i32
      %mul3A_167 = arith.muli %scan3A_164, %mul3A_166 : i32
      %add3A_168 = arith.constant 0 : i32
      %add3A_169 = arith.addi %mul3A_167, %add3A_168 : i32
      %lt3A = arith.constant 50 : i32
      %lt3A_170 = arith.cmpi slt, %add3A_169, %lt3A : i32
      %convert_element_type3A = arith.extui %lt3A_170 : i1 to i32
      %cond3A = arith.constant 0 : i32
      %cond3A_171 = arith.cmpi ne, %convert_element_type3A, %cond3A : i32
      scf.if %cond3A_171 {
        %dma_wait3A_191 = arith.constant 0 : i32
        %dma_wait3A_192 = arith.constant 0 : i32
        %dma_wait3A_193 = arith.constant 0 : i32
        %dma_wait3A_194 = arith.constant 0 : i32
        %dma_wait3A_195 = tpu.memref_slice %arg6[%dma_wait3A_191, %dma_wait3A_192, %dma_wait3A_193, %dma_wait3A_194] : memref<3x1x512x64xf32, #tpu.memory_space<vmem>> -> memref<1x1x512x64xf32, #tpu.memory_space<vmem>>
        %dma_wait3A_196 = tpu.memref_squeeze %dma_wait3A_195 : memref<1x1x512x64xf32, #tpu.memory_space<vmem>> -> memref<512x64xf32, #tpu.memory_space<vmem>>
        %dma_wait3A_197 = arith.constant 0 : i32
        %dma_wait3A_198 = tpu.memref_slice %arg5[%dma_wait3A_197] : memref<25600xi32, #tpu.memory_space<vmem>> -> memref<512xi32, #tpu.memory_space<vmem>>
        %dma_wait3A_199 = arith.constant 0 : i32
        %dma_wait3A_200 = arith.constant 0 : i32
        %dma_wait3A_201 = tpu.memref_slice %arg3[%dma_wait3A_199, %dma_wait3A_200] : memref<1000000x64xf32, #tpu.memory_space<hbm>> -> memref<1000000x64xf32, #tpu.memory_space<hbm>>
        tpu.wait_indirect_dma semaphore(%arg7 : memref<!tpu.dma_semaphore, #tpu.memory_space<semaphore_mem>>) src(%dma_wait3A_201 : memref<1000000x64xf32, #tpu.memory_space<hbm>>) dst(%dma_wait3A_196 : memref<512x64xf32, #tpu.memory_space<vmem>>)
        %mul3A_202 = arith.constant 512 : i32
        %mul3A_203 = arith.muli %add3A_169, %mul3A_202 : i32
        %add3A_204 = arith.addi %mul3A_2, %mul3A_203 : i32
        %jit3A_205 = arith.constant 16384 : i32
        %div3A_206 = arith.divsi %add3A_204, %jit3A_205 : i32
        %sign3A_207 = arith.constant 0 : i32
        %sign3A_208 = arith.cmpi sgt, %add3A_204, %sign3A_207 : i32
        %sign3A_209 = arith.extui %sign3A_208 : i1 to i32
        %sign3A_210 = arith.constant 0 : i32
        %sign3A_211 = arith.cmpi slt, %add3A_204, %sign3A_210 : i32
        %sign3A_212 = arith.extui %sign3A_211 : i1 to i32
        %sign3A_213 = arith.subi %sign3A_209, %sign3A_212 : i32
        %sign3A_214 = arith.constant 0 : i32
        %sign3A_215 = arith.cmpi sgt, %jit3A_205, %sign3A_214 : i32
        %sign3A_216 = arith.extui %sign3A_215 : i1 to i32
        %sign3A_217 = arith.constant 0 : i32
        %sign3A_218 = arith.cmpi slt, %jit3A_205, %sign3A_217 : i32
        %sign3A_219 = arith.extui %sign3A_218 : i1 to i32
        %sign3A_220 = arith.subi %sign3A_216, %sign3A_219 : i32
        %ne3A_221 = arith.cmpi ne, %sign3A_213, %sign3A_220 : i32
        %rem3A_222 = arith.remsi %add3A_204, %jit3A_205 : i32
        %ne3A_223 = arith.constant 0 : i32
        %ne3A_224 = arith.cmpi ne, %rem3A_222, %ne3A_223 : i32
        %and3A_225 = arith.andi %ne3A_221, %ne3A_224 : i1
        %sub3A_226 = arith.constant 1 : i32
        %sub3A_227 = arith.subi %div3A_206, %sub3A_226 : i32
        %select_n3A_228 = arith.select %and3A_225, %sub3A_227, %div3A_206 : i32
        %mul3A_229 = arith.constant 16384 : i32
        %mul3A_230 = arith.muli %select_n3A_228, %mul3A_229 : i32
        %sub3A_231 = arith.subi %add3A_204, %mul3A_230 : i32
        %dma_start3A_232 = arith.constant 0 : i32
        %dma_start3A_233 = arith.constant 0 : i32
        %dma_start3A_234 = arith.constant 0 : i32
        %dma_start3A_235 = arith.constant 0 : i32
        %dma_start3A_236 = tpu.memref_slice %arg6[%dma_start3A_232, %dma_start3A_233, %dma_start3A_234, %dma_start3A_235] : memref<3x1x512x64xf32, #tpu.memory_space<vmem>> -> memref<1x1x512x64xf32, #tpu.memory_space<vmem>>
        %dma_start3A_237 = tpu.memref_squeeze %dma_start3A_236 : memref<1x1x512x64xf32, #tpu.memory_space<vmem>> -> memref<1x512x64xf32, #tpu.memory_space<vmem>>
        %dma_start3A_238 = arith.constant 0 : i32
        %dma_start3A_239 = tpu.memref_slice %arg4[%select_n3A_228, %sub3A_231, %dma_start3A_238] : memref<50x16384x64xf32, #tpu.memory_space<hbm>> -> memref<1x512x64xf32, #tpu.memory_space<hbm>>
        %dma_start3A_240 = arith.constant 0 : i32
        %dma_start3A_241 = tpu.memref_slice %arg4[%select_n3A_228, %sub3A_231, %dma_start3A_240] : memref<50x16384x64xf32, #tpu.memory_space<hbm>> -> memref<1x512x64xf32, #tpu.memory_space<hbm>>
        %dma_start3A_242 = arith.constant 0 : i32
        %dma_start3A_243 = arith.constant 0 : i32
        %dma_start3A_244 = arith.constant 0 : i32
        %dma_start3A_245 = tpu.memref_slice %arg6[%dma_start3A_232, %dma_start3A_242, %dma_start3A_243, %dma_start3A_244] : memref<3x1x512x64xf32, #tpu.memory_space<vmem>> -> memref<1x1x512x64xf32, #tpu.memory_space<vmem>>
        %dma_start3A_246 = tpu.memref_squeeze %dma_start3A_245 : memref<1x1x512x64xf32, #tpu.memory_space<vmem>> -> memref<1x512x64xf32, #tpu.memory_space<vmem>>
        tpu.enqueue_dma source(%dma_start3A_246 : memref<1x512x64xf32, #tpu.memory_space<vmem>>) target(%dma_start3A_241 : memref<1x512x64xf32, #tpu.memory_space<hbm>>) target_semaphore(%arg10 : memref<!tpu.dma_semaphore, #tpu.memory_space<semaphore_mem>>)
        %add3A_247 = arith.constant 3 : i32
        %add3A_248 = arith.addi %add3A_169, %add3A_247 : i32
        %lt3A_249 = arith.constant 50 : i32
        %lt3A_250 = arith.cmpi slt, %add3A_248, %lt3A_249 : i32
        %convert_element_type3A_251 = arith.extui %lt3A_250 : i1 to i32
        %cond3A_252 = arith.constant 0 : i32
        %cond3A_253 = arith.cmpi ne, %convert_element_type3A_251, %cond3A_252 : i32
        scf.if %cond3A_253 {
          %add3A_254 = arith.constant 0 : i32
          %add3A_255 = arith.addi %mul3A_2, %add3A_254 : i32
          %jit3A_256 = arith.constant 16384 : i32
          %div3A_257 = arith.divsi %add3A_255, %jit3A_256 : i32
          %sign3A_258 = arith.constant 0 : i32
          %sign3A_259 = arith.cmpi sgt, %add3A_255, %sign3A_258 : i32
          %sign3A_260 = arith.extui %sign3A_259 : i1 to i32
          %sign3A_261 = arith.constant 0 : i32
          %sign3A_262 = arith.cmpi slt, %add3A_255, %sign3A_261 : i32
          %sign3A_263 = arith.extui %sign3A_262 : i1 to i32
          %sign3A_264 = arith.subi %sign3A_260, %sign3A_263 : i32
          %sign3A_265 = arith.constant 0 : i32
          %sign3A_266 = arith.cmpi sgt, %jit3A_256, %sign3A_265 : i32
          %sign3A_267 = arith.extui %sign3A_266 : i1 to i32
          %sign3A_268 = arith.constant 0 : i32
          %sign3A_269 = arith.cmpi slt, %jit3A_256, %sign3A_268 : i32
          %sign3A_270 = arith.extui %sign3A_269 : i1 to i32
          %sign3A_271 = arith.subi %sign3A_267, %sign3A_270 : i32
          %ne3A_272 = arith.cmpi ne, %sign3A_264, %sign3A_271 : i32
          %rem3A_273 = arith.remsi %add3A_255, %jit3A_256 : i32
          %ne3A_274 = arith.constant 0 : i32
          %ne3A_275 = arith.cmpi ne, %rem3A_273, %ne3A_274 : i32
          %and3A_276 = arith.andi %ne3A_272, %ne3A_275 : i1
          %sub3A_277 = arith.constant 1 : i32
          %sub3A_278 = arith.subi %div3A_257, %sub3A_277 : i32
          %select_n3A_279 = arith.select %and3A_276, %sub3A_278, %div3A_257 : i32
          %mul3A_280 = arith.constant 16384 : i32
          %mul3A_281 = arith.muli %select_n3A_279, %mul3A_280 : i32
          %sub3A_282 = arith.subi %add3A_255, %mul3A_281 : i32
          %dma_wait3A_283 = arith.constant 0 : i32
          %dma_wait3A_284 = arith.constant 0 : i32
          %dma_wait3A_285 = arith.constant 0 : i32
          %dma_wait3A_286 = arith.constant 0 : i32
          %dma_wait3A_287 = tpu.memref_slice %arg6[%dma_wait3A_283, %dma_wait3A_284, %dma_wait3A_285, %dma_wait3A_286] : memref<3x1x512x64xf32, #tpu.memory_space<vmem>> -> memref<1x1x512x64xf32, #tpu.memory_space<vmem>>
          %dma_wait3A_288 = tpu.memref_squeeze %dma_wait3A_287 : memref<1x1x512x64xf32, #tpu.memory_space<vmem>> -> memref<1x512x64xf32, #tpu.memory_space<vmem>>
          %dma_wait3A_289 = arith.constant 0 : i32
          %dma_wait3A_290 = tpu.memref_slice %arg4[%select_n3A_279, %sub3A_282, %dma_wait3A_289] : memref<50x16384x64xf32, #tpu.memory_space<hbm>> -> memref<1x512x64xf32, #tpu.memory_space<hbm>>
          %dma_wait3A_291 = arith.constant 0 : i32
          %dma_wait3A_292 = tpu.memref_slice %arg4[%select_n3A_279, %sub3A_282, %dma_wait3A_291] : memref<50x16384x64xf32, #tpu.memory_space<hbm>> -> memref<1x512x64xf32, #tpu.memory_space<hbm>>
          %dma_wait3A_293 = arith.constant 0 : i32
          %dma_wait3A_294 = arith.constant 0 : i32
          %dma_wait3A_295 = arith.constant 0 : i32
          %dma_wait3A_296 = tpu.memref_slice %arg6[%dma_wait3A_283, %dma_wait3A_293, %dma_wait3A_294, %dma_wait3A_295] : memref<3x1x512x64xf32, #tpu.memory_space<vmem>> -> memref<1x1x512x64xf32, #tpu.memory_space<vmem>>
          %dma_wait3A_297 = tpu.memref_squeeze %dma_wait3A_296 : memref<1x1x512x64xf32, #tpu.memory_space<vmem>> -> memref<1x512x64xf32, #tpu.memory_space<vmem>>
          tpu.wait_dma2 semaphore(%arg10 : memref<!tpu.dma_semaphore, #tpu.memory_space<semaphore_mem>>) src(%dma_wait3A_297 : memref<1x512x64xf32, #tpu.memory_space<vmem>>) dst(%dma_wait3A_292 : memref<1x512x64xf32, #tpu.memory_space<hbm>>)
          %add3A_298 = arith.constant 3 : i32
          %add3A_299 = arith.addi %add3A_169, %add3A_298 : i32
          %mul3A_300 = arith.constant 512 : i32
          %mul3A_301 = arith.muli %add3A_299, %mul3A_300 : i32
          %dma_start3A_302 = arith.constant 0 : i32
          %dma_start3A_303 = arith.constant 0 : i32
          %dma_start3A_304 = arith.constant 0 : i32
          %dma_start3A_305 = arith.constant 0 : i32
          %dma_start3A_306 = tpu.memref_slice %arg6[%dma_start3A_302, %dma_start3A_303, %dma_start3A_304, %dma_start3A_305] : memref<3x1x512x64xf32, #tpu.memory_space<vmem>> -> memref<1x1x512x64xf32, #tpu.memory_space<vmem>>
          %dma_start3A_307 = tpu.memref_squeeze %dma_start3A_306 : memref<1x1x512x64xf32, #tpu.memory_space<vmem>> -> memref<512x64xf32, #tpu.memory_space<vmem>>
          %dma_start3A_308 = tpu.memref_slice %arg5[%mul3A_301] : memref<25600xi32, #tpu.memory_space<vmem>> -> memref<512xi32, #tpu.memory_space<vmem>>
          %dma_start3A_309 = arith.constant 0 : i32
          %dma_start3A_310 = arith.constant 0 : i32
          %dma_start3A_311 = tpu.memref_slice %arg3[%dma_start3A_309, %dma_start3A_310] : memref<1000000x64xf32, #tpu.memory_space<hbm>> -> memref<1000000x64xf32, #tpu.memory_space<hbm>>
          tpu.enqueue_indirect_dma source(%dma_start3A_311 : memref<1000000x64xf32, #tpu.memory_space<hbm>>) target(%dma_start3A_307 : memref<512x64xf32, #tpu.memory_space<vmem>>) offsets(%dma_start3A_308 : memref<512xi32, #tpu.memory_space<vmem>>) semaphore(%arg7 : memref<!tpu.dma_semaphore, #tpu.memory_space<semaphore_mem>>)
        } else {
        }
      } else {
      }
      %mul3A_172 = arith.constant 3 : i32
      %mul3A_173 = arith.muli %scan3A_164, %mul3A_172 : i32
      %add3A_174 = arith.constant 1 : i32
      %add3A_175 = arith.addi %mul3A_173, %add3A_174 : i32
      %lt3A_176 = arith.constant 50 : i32
      %lt3A_177 = arith.cmpi slt, %add3A_175, %lt3A_176 : i32
      %convert_element_type3A_178 = arith.extui %lt3A_177 : i1 to i32
      %cond3A_179 = arith.constant 0 : i32
      %cond3A_180 = arith.cmpi ne, %convert_element_type3A_178, %cond3A_179 : i32
      scf.if %cond3A_180 {
        %dma_wait3A_191 = arith.constant 1 : i32
        %dma_wait3A_192 = arith.constant 0 : i32
        %dma_wait3A_193 = arith.constant 0 : i32
        %dma_wait3A_194 = arith.constant 0 : i32
        %dma_wait3A_195 = tpu.memref_slice %arg6[%dma_wait3A_191, %dma_wait3A_192, %dma_wait3A_193, %dma_wait3A_194] : memref<3x1x512x64xf32, #tpu.memory_space<vmem>> -> memref<1x1x512x64xf32, #tpu.memory_space<vmem>>
        %dma_wait3A_196 = tpu.memref_squeeze %dma_wait3A_195 : memref<1x1x512x64xf32, #tpu.memory_space<vmem>> -> memref<512x64xf32, #tpu.memory_space<vmem>>
        %dma_wait3A_197 = arith.constant 0 : i32
        %dma_wait3A_198 = tpu.memref_slice %arg5[%dma_wait3A_197] : memref<25600xi32, #tpu.memory_space<vmem>> -> memref<512xi32, #tpu.memory_space<vmem>>
        %dma_wait3A_199 = arith.constant 0 : i32
        %dma_wait3A_200 = arith.constant 0 : i32
        %dma_wait3A_201 = tpu.memref_slice %arg3[%dma_wait3A_199, %dma_wait3A_200] : memref<1000000x64xf32, #tpu.memory_space<hbm>> -> memref<1000000x64xf32, #tpu.memory_space<hbm>>
        tpu.wait_indirect_dma semaphore(%arg8 : memref<!tpu.dma_semaphore, #tpu.memory_space<semaphore_mem>>) src(%dma_wait3A_201 : memref<1000000x64xf32, #tpu.memory_space<hbm>>) dst(%dma_wait3A_196 : memref<512x64xf32, #tpu.memory_space<vmem>>)
        %mul3A_202 = arith.constant 512 : i32
        %mul3A_203 = arith.muli %add3A_175, %mul3A_202 : i32
        %add3A_204 = arith.addi %mul3A_2, %mul3A_203 : i32
        %jit3A_205 = arith.constant 16384 : i32
        %div3A_206 = arith.divsi %add3A_204, %jit3A_205 : i32
        %sign3A_207 = arith.constant 0 : i32
        %sign3A_208 = arith.cmpi sgt, %add3A_204, %sign3A_207 : i32
        %sign3A_209 = arith.extui %sign3A_208 : i1 to i32
        %sign3A_210 = arith.constant 0 : i32
        %sign3A_211 = arith.cmpi slt, %add3A_204, %sign3A_210 : i32
        %sign3A_212 = arith.extui %sign3A_211 : i1 to i32
        %sign3A_213 = arith.subi %sign3A_209, %sign3A_212 : i32
        %sign3A_214 = arith.constant 0 : i32
        %sign3A_215 = arith.cmpi sgt, %jit3A_205, %sign3A_214 : i32
        %sign3A_216 = arith.extui %sign3A_215 : i1 to i32
        %sign3A_217 = arith.constant 0 : i32
        %sign3A_218 = arith.cmpi slt, %jit3A_205, %sign3A_217 : i32
        %sign3A_219 = arith.extui %sign3A_218 : i1 to i32
        %sign3A_220 = arith.subi %sign3A_216, %sign3A_219 : i32
        %ne3A_221 = arith.cmpi ne, %sign3A_213, %sign3A_220 : i32
        %rem3A_222 = arith.remsi %add3A_204, %jit3A_205 : i32
        %ne3A_223 = arith.constant 0 : i32
        %ne3A_224 = arith.cmpi ne, %rem3A_222, %ne3A_223 : i32
        %and3A_225 = arith.andi %ne3A_221, %ne3A_224 : i1
        %sub3A_226 = arith.constant 1 : i32
        %sub3A_227 = arith.subi %div3A_206, %sub3A_226 : i32
        %select_n3A_228 = arith.select %and3A_225, %sub3A_227, %div3A_206 : i32
        %mul3A_229 = arith.constant 16384 : i32
        %mul3A_230 = arith.muli %select_n3A_228, %mul3A_229 : i32
        %sub3A_231 = arith.subi %add3A_204, %mul3A_230 : i32
        %dma_start3A_232 = arith.constant 1 : i32
        %dma_start3A_233 = arith.constant 0 : i32
        %dma_start3A_234 = arith.constant 0 : i32
        %dma_start3A_235 = arith.constant 0 : i32
        %dma_start3A_236 = tpu.memref_slice %arg6[%dma_start3A_232, %dma_start3A_233, %dma_start3A_234, %dma_start3A_235] : memref<3x1x512x64xf32, #tpu.memory_space<vmem>> -> memref<1x1x512x64xf32, #tpu.memory_space<vmem>>
        %dma_start3A_237 = tpu.memref_squeeze %dma_start3A_236 : memref<1x1x512x64xf32, #tpu.memory_space<vmem>> -> memref<1x512x64xf32, #tpu.memory_space<vmem>>
        %dma_start3A_238 = arith.constant 0 : i32
        %dma_start3A_239 = tpu.memref_slice %arg4[%select_n3A_228, %sub3A_231, %dma_start3A_238] : memref<50x16384x64xf32, #tpu.memory_space<hbm>> -> memref<1x512x64xf32, #tpu.memory_space<hbm>>
        %dma_start3A_240 = arith.constant 0 : i32
        %dma_start3A_241 = tpu.memref_slice %arg4[%select_n3A_228, %sub3A_231, %dma_start3A_240] : memref<50x16384x64xf32, #tpu.memory_space<hbm>> -> memref<1x512x64xf32, #tpu.memory_space<hbm>>
        %dma_start3A_242 = arith.constant 0 : i32
        %dma_start3A_243 = arith.constant 0 : i32
        %dma_start3A_244 = arith.constant 0 : i32
        %dma_start3A_245 = tpu.memref_slice %arg6[%dma_start3A_232, %dma_start3A_242, %dma_start3A_243, %dma_start3A_244] : memref<3x1x512x64xf32, #tpu.memory_space<vmem>> -> memref<1x1x512x64xf32, #tpu.memory_space<vmem>>
        %dma_start3A_246 = tpu.memref_squeeze %dma_start3A_245 : memref<1x1x512x64xf32, #tpu.memory_space<vmem>> -> memref<1x512x64xf32, #tpu.memory_space<vmem>>
        tpu.enqueue_dma source(%dma_start3A_246 : memref<1x512x64xf32, #tpu.memory_space<vmem>>) target(%dma_start3A_241 : memref<1x512x64xf32, #tpu.memory_space<hbm>>) target_semaphore(%arg11 : memref<!tpu.dma_semaphore, #tpu.memory_space<semaphore_mem>>)
        %add3A_247 = arith.constant 3 : i32
        %add3A_248 = arith.addi %add3A_175, %add3A_247 : i32
        %lt3A_249 = arith.constant 50 : i32
        %lt3A_250 = arith.cmpi slt, %add3A_248, %lt3A_249 : i32
        %convert_element_type3A_251 = arith.extui %lt3A_250 : i1 to i32
        %cond3A_252 = arith.constant 0 : i32
        %cond3A_253 = arith.cmpi ne, %convert_element_type3A_251, %cond3A_252 : i32
        scf.if %cond3A_253 {
          %add3A_254 = arith.constant 0 : i32
          %add3A_255 = arith.addi %mul3A_2, %add3A_254 : i32
          %jit3A_256 = arith.constant 16384 : i32
          %div3A_257 = arith.divsi %add3A_255, %jit3A_256 : i32
          %sign3A_258 = arith.constant 0 : i32
          %sign3A_259 = arith.cmpi sgt, %add3A_255, %sign3A_258 : i32
          %sign3A_260 = arith.extui %sign3A_259 : i1 to i32
          %sign3A_261 = arith.constant 0 : i32
          %sign3A_262 = arith.cmpi slt, %add3A_255, %sign3A_261 : i32
          %sign3A_263 = arith.extui %sign3A_262 : i1 to i32
          %sign3A_264 = arith.subi %sign3A_260, %sign3A_263 : i32
          %sign3A_265 = arith.constant 0 : i32
          %sign3A_266 = arith.cmpi sgt, %jit3A_256, %sign3A_265 : i32
          %sign3A_267 = arith.extui %sign3A_266 : i1 to i32
          %sign3A_268 = arith.constant 0 : i32
          %sign3A_269 = arith.cmpi slt, %jit3A_256, %sign3A_268 : i32
          %sign3A_270 = arith.extui %sign3A_269 : i1 to i32
          %sign3A_271 = arith.subi %sign3A_267, %sign3A_270 : i32
          %ne3A_272 = arith.cmpi ne, %sign3A_264, %sign3A_271 : i32
          %rem3A_273 = arith.remsi %add3A_255, %jit3A_256 : i32
          %ne3A_274 = arith.constant 0 : i32
          %ne3A_275 = arith.cmpi ne, %rem3A_273, %ne3A_274 : i32
          %and3A_276 = arith.andi %ne3A_272, %ne3A_275 : i1
          %sub3A_277 = arith.constant 1 : i32
          %sub3A_278 = arith.subi %div3A_257, %sub3A_277 : i32
          %select_n3A_279 = arith.select %and3A_276, %sub3A_278, %div3A_257 : i32
          %mul3A_280 = arith.constant 16384 : i32
          %mul3A_281 = arith.muli %select_n3A_279, %mul3A_280 : i32
          %sub3A_282 = arith.subi %add3A_255, %mul3A_281 : i32
          %dma_wait3A_283 = arith.constant 1 : i32
          %dma_wait3A_284 = arith.constant 0 : i32
          %dma_wait3A_285 = arith.constant 0 : i32
          %dma_wait3A_286 = arith.constant 0 : i32
          %dma_wait3A_287 = tpu.memref_slice %arg6[%dma_wait3A_283, %dma_wait3A_284, %dma_wait3A_285, %dma_wait3A_286] : memref<3x1x512x64xf32, #tpu.memory_space<vmem>> -> memref<1x1x512x64xf32, #tpu.memory_space<vmem>>
          %dma_wait3A_288 = tpu.memref_squeeze %dma_wait3A_287 : memref<1x1x512x64xf32, #tpu.memory_space<vmem>> -> memref<1x512x64xf32, #tpu.memory_space<vmem>>
          %dma_wait3A_289 = arith.constant 0 : i32
          %dma_wait3A_290 = tpu.memref_slice %arg4[%select_n3A_279, %sub3A_282, %dma_wait3A_289] : memref<50x16384x64xf32, #tpu.memory_space<hbm>> -> memref<1x512x64xf32, #tpu.memory_space<hbm>>
          %dma_wait3A_291 = arith.constant 0 : i32
          %dma_wait3A_292 = tpu.memref_slice %arg4[%select_n3A_279, %sub3A_282, %dma_wait3A_291] : memref<50x16384x64xf32, #tpu.memory_space<hbm>> -> memref<1x512x64xf32, #tpu.memory_space<hbm>>
          %dma_wait3A_293 = arith.constant 0 : i32
          %dma_wait3A_294 = arith.constant 0 : i32
          %dma_wait3A_295 = arith.constant 0 : i32
          %dma_wait3A_296 = tpu.memref_slice %arg6[%dma_wait3A_283, %dma_wait3A_293, %dma_wait3A_294, %dma_wait3A_295] : memref<3x1x512x64xf32, #tpu.memory_space<vmem>> -> memref<1x1x512x64xf32, #tpu.memory_space<vmem>>
          %dma_wait3A_297 = tpu.memref_squeeze %dma_wait3A_296 : memref<1x1x512x64xf32, #tpu.memory_space<vmem>> -> memref<1x512x64xf32, #tpu.memory_space<vmem>>
          tpu.wait_dma2 semaphore(%arg11 : memref<!tpu.dma_semaphore, #tpu.memory_space<semaphore_mem>>) src(%dma_wait3A_297 : memref<1x512x64xf32, #tpu.memory_space<vmem>>) dst(%dma_wait3A_292 : memref<1x512x64xf32, #tpu.memory_space<hbm>>)
          %add3A_298 = arith.constant 3 : i32
          %add3A_299 = arith.addi %add3A_175, %add3A_298 : i32
          %mul3A_300 = arith.constant 512 : i32
          %mul3A_301 = arith.muli %add3A_299, %mul3A_300 : i32
          %dma_start3A_302 = arith.constant 1 : i32
          %dma_start3A_303 = arith.constant 0 : i32
          %dma_start3A_304 = arith.constant 0 : i32
          %dma_start3A_305 = arith.constant 0 : i32
          %dma_start3A_306 = tpu.memref_slice %arg6[%dma_start3A_302, %dma_start3A_303, %dma_start3A_304, %dma_start3A_305] : memref<3x1x512x64xf32, #tpu.memory_space<vmem>> -> memref<1x1x512x64xf32, #tpu.memory_space<vmem>>
          %dma_start3A_307 = tpu.memref_squeeze %dma_start3A_306 : memref<1x1x512x64xf32, #tpu.memory_space<vmem>> -> memref<512x64xf32, #tpu.memory_space<vmem>>
          %dma_start3A_308 = tpu.memref_slice %arg5[%mul3A_301] : memref<25600xi32, #tpu.memory_space<vmem>> -> memref<512xi32, #tpu.memory_space<vmem>>
          %dma_start3A_309 = arith.constant 0 : i32
          %dma_start3A_310 = arith.constant 0 : i32
          %dma_start3A_311 = tpu.memref_slice %arg3[%dma_start3A_309, %dma_start3A_310] : memref<1000000x64xf32, #tpu.memory_space<hbm>> -> memref<1000000x64xf32, #tpu.memory_space<hbm>>
          tpu.enqueue_indirect_dma source(%dma_start3A_311 : memref<1000000x64xf32, #tpu.memory_space<hbm>>) target(%dma_start3A_307 : memref<512x64xf32, #tpu.memory_space<vmem>>) offsets(%dma_start3A_308 : memref<512xi32, #tpu.memory_space<vmem>>) semaphore(%arg8 : memref<!tpu.dma_semaphore, #tpu.memory_space<semaphore_mem>>)
        } else {
        }
      } else {
      }
      %mul3A_181 = arith.constant 3 : i32
      %mul3A_182 = arith.muli %scan3A_164, %mul3A_181 : i32
      %add3A_183 = arith.constant 2 : i32
      %add3A_184 = arith.addi %mul3A_182, %add3A_183 : i32
      %lt3A_185 = arith.constant 50 : i32
      %lt3A_186 = arith.cmpi slt, %add3A_184, %lt3A_185 : i32
      %convert_element_type3A_187 = arith.extui %lt3A_186 : i1 to i32
      %cond3A_188 = arith.constant 0 : i32
      %cond3A_189 = arith.cmpi ne, %convert_element_type3A_187, %cond3A_188 : i32
      scf.if %cond3A_189 {
        %dma_wait3A_191 = arith.constant 2 : i32
        %dma_wait3A_192 = arith.constant 0 : i32
        %dma_wait3A_193 = arith.constant 0 : i32
        %dma_wait3A_194 = arith.constant 0 : i32
        %dma_wait3A_195 = tpu.memref_slice %arg6[%dma_wait3A_191, %dma_wait3A_192, %dma_wait3A_193, %dma_wait3A_194] : memref<3x1x512x64xf32, #tpu.memory_space<vmem>> -> memref<1x1x512x64xf32, #tpu.memory_space<vmem>>
        %dma_wait3A_196 = tpu.memref_squeeze %dma_wait3A_195 : memref<1x1x512x64xf32, #tpu.memory_space<vmem>> -> memref<512x64xf32, #tpu.memory_space<vmem>>
        %dma_wait3A_197 = arith.constant 0 : i32
        %dma_wait3A_198 = tpu.memref_slice %arg5[%dma_wait3A_197] : memref<25600xi32, #tpu.memory_space<vmem>> -> memref<512xi32, #tpu.memory_space<vmem>>
        %dma_wait3A_199 = arith.constant 0 : i32
        %dma_wait3A_200 = arith.constant 0 : i32
        %dma_wait3A_201 = tpu.memref_slice %arg3[%dma_wait3A_199, %dma_wait3A_200] : memref<1000000x64xf32, #tpu.memory_space<hbm>> -> memref<1000000x64xf32, #tpu.memory_space<hbm>>
        tpu.wait_indirect_dma semaphore(%arg9 : memref<!tpu.dma_semaphore, #tpu.memory_space<semaphore_mem>>) src(%dma_wait3A_201 : memref<1000000x64xf32, #tpu.memory_space<hbm>>) dst(%dma_wait3A_196 : memref<512x64xf32, #tpu.memory_space<vmem>>)
        %mul3A_202 = arith.constant 512 : i32
        %mul3A_203 = arith.muli %add3A_184, %mul3A_202 : i32
        %add3A_204 = arith.addi %mul3A_2, %mul3A_203 : i32
        %jit3A_205 = arith.constant 16384 : i32
        %div3A_206 = arith.divsi %add3A_204, %jit3A_205 : i32
        %sign3A_207 = arith.constant 0 : i32
        %sign3A_208 = arith.cmpi sgt, %add3A_204, %sign3A_207 : i32
        %sign3A_209 = arith.extui %sign3A_208 : i1 to i32
        %sign3A_210 = arith.constant 0 : i32
        %sign3A_211 = arith.cmpi slt, %add3A_204, %sign3A_210 : i32
        %sign3A_212 = arith.extui %sign3A_211 : i1 to i32
        %sign3A_213 = arith.subi %sign3A_209, %sign3A_212 : i32
        %sign3A_214 = arith.constant 0 : i32
        %sign3A_215 = arith.cmpi sgt, %jit3A_205, %sign3A_214 : i32
        %sign3A_216 = arith.extui %sign3A_215 : i1 to i32
        %sign3A_217 = arith.constant 0 : i32
        %sign3A_218 = arith.cmpi slt, %jit3A_205, %sign3A_217 : i32
        %sign3A_219 = arith.extui %sign3A_218 : i1 to i32
        %sign3A_220 = arith.subi %sign3A_216, %sign3A_219 : i32
        %ne3A_221 = arith.cmpi ne, %sign3A_213, %sign3A_220 : i32
        %rem3A_222 = arith.remsi %add3A_204, %jit3A_205 : i32
        %ne3A_223 = arith.constant 0 : i32
        %ne3A_224 = arith.cmpi ne, %rem3A_222, %ne3A_223 : i32
        %and3A_225 = arith.andi %ne3A_221, %ne3A_224 : i1
        %sub3A_226 = arith.constant 1 : i32
        %sub3A_227 = arith.subi %div3A_206, %sub3A_226 : i32
        %select_n3A_228 = arith.select %and3A_225, %sub3A_227, %div3A_206 : i32
        %mul3A_229 = arith.constant 16384 : i32
        %mul3A_230 = arith.muli %select_n3A_228, %mul3A_229 : i32
        %sub3A_231 = arith.subi %add3A_204, %mul3A_230 : i32
        %dma_start3A_232 = arith.constant 2 : i32
        %dma_start3A_233 = arith.constant 0 : i32
        %dma_start3A_234 = arith.constant 0 : i32
        %dma_start3A_235 = arith.constant 0 : i32
        %dma_start3A_236 = tpu.memref_slice %arg6[%dma_start3A_232, %dma_start3A_233, %dma_start3A_234, %dma_start3A_235] : memref<3x1x512x64xf32, #tpu.memory_space<vmem>> -> memref<1x1x512x64xf32, #tpu.memory_space<vmem>>
        %dma_start3A_237 = tpu.memref_squeeze %dma_start3A_236 : memref<1x1x512x64xf32, #tpu.memory_space<vmem>> -> memref<1x512x64xf32, #tpu.memory_space<vmem>>
        %dma_start3A_238 = arith.constant 0 : i32
        %dma_start3A_239 = tpu.memref_slice %arg4[%select_n3A_228, %sub3A_231, %dma_start3A_238] : memref<50x16384x64xf32, #tpu.memory_space<hbm>> -> memref<1x512x64xf32, #tpu.memory_space<hbm>>
        %dma_start3A_240 = arith.constant 0 : i32
        %dma_start3A_241 = tpu.memref_slice %arg4[%select_n3A_228, %sub3A_231, %dma_start3A_240] : memref<50x16384x64xf32, #tpu.memory_space<hbm>> -> memref<1x512x64xf32, #tpu.memory_space<hbm>>
        %dma_start3A_242 = arith.constant 0 : i32
        %dma_start3A_243 = arith.constant 0 : i32
        %dma_start3A_244 = arith.constant 0 : i32
        %dma_start3A_245 = tpu.memref_slice %arg6[%dma_start3A_232, %dma_start3A_242, %dma_start3A_243, %dma_start3A_244] : memref<3x1x512x64xf32, #tpu.memory_space<vmem>> -> memref<1x1x512x64xf32, #tpu.memory_space<vmem>>
        %dma_start3A_246 = tpu.memref_squeeze %dma_start3A_245 : memref<1x1x512x64xf32, #tpu.memory_space<vmem>> -> memref<1x512x64xf32, #tpu.memory_space<vmem>>
        tpu.enqueue_dma source(%dma_start3A_246 : memref<1x512x64xf32, #tpu.memory_space<vmem>>) target(%dma_start3A_241 : memref<1x512x64xf32, #tpu.memory_space<hbm>>) target_semaphore(%arg12 : memref<!tpu.dma_semaphore, #tpu.memory_space<semaphore_mem>>)
        %add3A_247 = arith.constant 3 : i32
        %add3A_248 = arith.addi %add3A_184, %add3A_247 : i32
        %lt3A_249 = arith.constant 50 : i32
        %lt3A_250 = arith.cmpi slt, %add3A_248, %lt3A_249 : i32
        %convert_element_type3A_251 = arith.extui %lt3A_250 : i1 to i32
        %cond3A_252 = arith.constant 0 : i32
        %cond3A_253 = arith.cmpi ne, %convert_element_type3A_251, %cond3A_252 : i32
        scf.if %cond3A_253 {
          %add3A_254 = arith.constant 0 : i32
          %add3A_255 = arith.addi %mul3A_2, %add3A_254 : i32
          %jit3A_256 = arith.constant 16384 : i32
          %div3A_257 = arith.divsi %add3A_255, %jit3A_256 : i32
          %sign3A_258 = arith.constant 0 : i32
          %sign3A_259 = arith.cmpi sgt, %add3A_255, %sign3A_258 : i32
          %sign3A_260 = arith.extui %sign3A_259 : i1 to i32
          %sign3A_261 = arith.constant 0 : i32
          %sign3A_262 = arith.cmpi slt, %add3A_255, %sign3A_261 : i32
          %sign3A_263 = arith.extui %sign3A_262 : i1 to i32
          %sign3A_264 = arith.subi %sign3A_260, %sign3A_263 : i32
          %sign3A_265 = arith.constant 0 : i32
          %sign3A_266 = arith.cmpi sgt, %jit3A_256, %sign3A_265 : i32
          %sign3A_267 = arith.extui %sign3A_266 : i1 to i32
          %sign3A_268 = arith.constant 0 : i32
          %sign3A_269 = arith.cmpi slt, %jit3A_256, %sign3A_268 : i32
          %sign3A_270 = arith.extui %sign3A_269 : i1 to i32
          %sign3A_271 = arith.subi %sign3A_267, %sign3A_270 : i32
          %ne3A_272 = arith.cmpi ne, %sign3A_264, %sign3A_271 : i32
          %rem3A_273 = arith.remsi %add3A_255, %jit3A_256 : i32
          %ne3A_274 = arith.constant 0 : i32
          %ne3A_275 = arith.cmpi ne, %rem3A_273, %ne3A_274 : i32
          %and3A_276 = arith.andi %ne3A_272, %ne3A_275 : i1
          %sub3A_277 = arith.constant 1 : i32
          %sub3A_278 = arith.subi %div3A_257, %sub3A_277 : i32
          %select_n3A_279 = arith.select %and3A_276, %sub3A_278, %div3A_257 : i32
          %mul3A_280 = arith.constant 16384 : i32
          %mul3A_281 = arith.muli %select_n3A_279, %mul3A_280 : i32
          %sub3A_282 = arith.subi %add3A_255, %mul3A_281 : i32
          %dma_wait3A_283 = arith.constant 2 : i32
          %dma_wait3A_284 = arith.constant 0 : i32
          %dma_wait3A_285 = arith.constant 0 : i32
          %dma_wait3A_286 = arith.constant 0 : i32
          %dma_wait3A_287 = tpu.memref_slice %arg6[%dma_wait3A_283, %dma_wait3A_284, %dma_wait3A_285, %dma_wait3A_286] : memref<3x1x512x64xf32, #tpu.memory_space<vmem>> -> memref<1x1x512x64xf32, #tpu.memory_space<vmem>>
          %dma_wait3A_288 = tpu.memref_squeeze %dma_wait3A_287 : memref<1x1x512x64xf32, #tpu.memory_space<vmem>> -> memref<1x512x64xf32, #tpu.memory_space<vmem>>
          %dma_wait3A_289 = arith.constant 0 : i32
          %dma_wait3A_290 = tpu.memref_slice %arg4[%select_n3A_279, %sub3A_282, %dma_wait3A_289] : memref<50x16384x64xf32, #tpu.memory_space<hbm>> -> memref<1x512x64xf32, #tpu.memory_space<hbm>>
          %dma_wait3A_291 = arith.constant 0 : i32
          %dma_wait3A_292 = tpu.memref_slice %arg4[%select_n3A_279, %sub3A_282, %dma_wait3A_291] : memref<50x16384x64xf32, #tpu.memory_space<hbm>> -> memref<1x512x64xf32, #tpu.memory_space<hbm>>
          %dma_wait3A_293 = arith.constant 0 : i32
          %dma_wait3A_294 = arith.constant 0 : i32
          %dma_wait3A_295 = arith.constant 0 : i32
          %dma_wait3A_296 = tpu.memref_slice %arg6[%dma_wait3A_283, %dma_wait3A_293, %dma_wait3A_294, %dma_wait3A_295] : memref<3x1x512x64xf32, #tpu.memory_space<vmem>> -> memref<1x1x512x64xf32, #tpu.memory_space<vmem>>
          %dma_wait3A_297 = tpu.memref_squeeze %dma_wait3A_296 : memref<1x1x512x64xf32, #tpu.memory_space<vmem>> -> memref<1x512x64xf32, #tpu.memory_space<vmem>>
          tpu.wait_dma2 semaphore(%arg12 : memref<!tpu.dma_semaphore, #tpu.memory_space<semaphore_mem>>) src(%dma_wait3A_297 : memref<1x512x64xf32, #tpu.memory_space<vmem>>) dst(%dma_wait3A_292 : memref<1x512x64xf32, #tpu.memory_space<hbm>>)
          %add3A_298 = arith.constant 3 : i32
          %add3A_299 = arith.addi %add3A_184, %add3A_298 : i32
          %mul3A_300 = arith.constant 512 : i32
          %mul3A_301 = arith.muli %add3A_299, %mul3A_300 : i32
          %dma_start3A_302 = arith.constant 2 : i32
          %dma_start3A_303 = arith.constant 0 : i32
          %dma_start3A_304 = arith.constant 0 : i32
          %dma_start3A_305 = arith.constant 0 : i32
          %dma_start3A_306 = tpu.memref_slice %arg6[%dma_start3A_302, %dma_start3A_303, %dma_start3A_304, %dma_start3A_305] : memref<3x1x512x64xf32, #tpu.memory_space<vmem>> -> memref<1x1x512x64xf32, #tpu.memory_space<vmem>>
          %dma_start3A_307 = tpu.memref_squeeze %dma_start3A_306 : memref<1x1x512x64xf32, #tpu.memory_space<vmem>> -> memref<512x64xf32, #tpu.memory_space<vmem>>
          %dma_start3A_308 = tpu.memref_slice %arg5[%mul3A_301] : memref<25600xi32, #tpu.memory_space<vmem>> -> memref<512xi32, #tpu.memory_space<vmem>>
          %dma_start3A_309 = arith.constant 0 : i32
          %dma_start3A_310 = arith.constant 0 : i32
          %dma_start3A_311 = tpu.memref_slice %arg3[%dma_start3A_309, %dma_start3A_310] : memref<1000000x64xf32, #tpu.memory_space<hbm>> -> memref<1000000x64xf32, #tpu.memory_space<hbm>>
          tpu.enqueue_indirect_dma source(%dma_start3A_311 : memref<1000000x64xf32, #tpu.memory_space<hbm>>) target(%dma_start3A_307 : memref<512x64xf32, #tpu.memory_space<vmem>>) offsets(%dma_start3A_308 : memref<512xi32, #tpu.memory_space<vmem>>) semaphore(%arg9 : memref<!tpu.dma_semaphore, #tpu.memory_space<semaphore_mem>>)
        } else {
        }
      } else {
      }
      %scan3A_190 = arith.constant 0 : i32
      scf.yield %scan3A_190 : i32
    }
    %scan3A_40 = arith.constant 17 : i32
    %add3A_41 = arith.constant 0 : i32
    %add3A_42 = arith.addi %mul3A_2, %add3A_41 : i32
    %jit3A = arith.constant 16384 : i32
    %div3A = arith.divsi %add3A_42, %jit3A : i32
    %sign3A = arith.constant 0 : i32
    %sign3A_43 = arith.cmpi sgt, %add3A_42, %sign3A : i32
    %sign3A_44 = arith.extui %sign3A_43 : i1 to i32
    %sign3A_45 = arith.constant 0 : i32
    %sign3A_46 = arith.cmpi slt, %add3A_42, %sign3A_45 : i32
    %sign3A_47 = arith.extui %sign3A_46 : i1 to i32
    %sign3A_48 = arith.subi %sign3A_44, %sign3A_47 : i32
    %sign3A_49 = arith.constant 0 : i32
    %sign3A_50 = arith.cmpi sgt, %jit3A, %sign3A_49 : i32
    %sign3A_51 = arith.extui %sign3A_50 : i1 to i32
    %sign3A_52 = arith.constant 0 : i32
    %sign3A_53 = arith.cmpi slt, %jit3A, %sign3A_52 : i32
    %sign3A_54 = arith.extui %sign3A_53 : i1 to i32
    %sign3A_55 = arith.subi %sign3A_51, %sign3A_54 : i32
    %ne3A = arith.cmpi ne, %sign3A_48, %sign3A_55 : i32
    %rem3A = arith.remsi %add3A_42, %jit3A : i32
    %ne3A_56 = arith.constant 0 : i32
    %ne3A_57 = arith.cmpi ne, %rem3A, %ne3A_56 : i32
    %and3A = arith.andi %ne3A, %ne3A_57 : i1
    %sub3A = arith.constant 1 : i32
    %sub3A_58 = arith.subi %div3A, %sub3A : i32
    %select_n3A = arith.select %and3A, %sub3A_58, %div3A : i32
    %mul3A_59 = arith.constant 16384 : i32
    %mul3A_60 = arith.muli %select_n3A, %mul3A_59 : i32
    %sub3A_61 = arith.subi %add3A_42, %mul3A_60 : i32
    %dma_wait3A = arith.constant 0 : i32
    %dma_wait3A_62 = arith.constant 0 : i32
    %dma_wait3A_63 = arith.constant 0 : i32
    %dma_wait3A_64 = arith.constant 0 : i32
    %dma_wait3A_65 = tpu.memref_slice %arg6[%dma_wait3A, %dma_wait3A_62, %dma_wait3A_63, %dma_wait3A_64] : memref<3x1x512x64xf32, #tpu.memory_space<vmem>> -> memref<1x1x512x64xf32, #tpu.memory_space<vmem>>
    %dma_wait3A_66 = tpu.memref_squeeze %dma_wait3A_65 : memref<1x1x512x64xf32, #tpu.memory_space<vmem>> -> memref<1x512x64xf32, #tpu.memory_space<vmem>>
    %dma_wait3A_67 = arith.constant 0 : i32
    %dma_wait3A_68 = tpu.memref_slice %arg4[%select_n3A, %sub3A_61, %dma_wait3A_67] : memref<50x16384x64xf32, #tpu.memory_space<hbm>> -> memref<1x512x64xf32, #tpu.memory_space<hbm>>
    %dma_wait3A_69 = arith.constant 0 : i32
    %dma_wait3A_70 = tpu.memref_slice %arg4[%select_n3A, %sub3A_61, %dma_wait3A_69] : memref<50x16384x64xf32, #tpu.memory_space<hbm>> -> memref<1x512x64xf32, #tpu.memory_space<hbm>>
    %dma_wait3A_71 = arith.constant 0 : i32
    %dma_wait3A_72 = arith.constant 0 : i32
    %dma_wait3A_73 = arith.constant 0 : i32
    %dma_wait3A_74 = tpu.memref_slice %arg6[%dma_wait3A, %dma_wait3A_71, %dma_wait3A_72, %dma_wait3A_73] : memref<3x1x512x64xf32, #tpu.memory_space<vmem>> -> memref<1x1x512x64xf32, #tpu.memory_space<vmem>>
    %dma_wait3A_75 = tpu.memref_squeeze %dma_wait3A_74 : memref<1x1x512x64xf32, #tpu.memory_space<vmem>> -> memref<1x512x64xf32, #tpu.memory_space<vmem>>
    tpu.wait_dma2 semaphore(%arg10 : memref<!tpu.dma_semaphore, #tpu.memory_space<semaphore_mem>>) src(%dma_wait3A_75 : memref<1x512x64xf32, #tpu.memory_space<vmem>>) dst(%dma_wait3A_70 : memref<1x512x64xf32, #tpu.memory_space<hbm>>)
    %add3A_76 = arith.constant 0 : i32
    %add3A_77 = arith.addi %mul3A_2, %add3A_76 : i32
    %jit3A_78 = arith.constant 16384 : i32
    %div3A_79 = arith.divsi %add3A_77, %jit3A_78 : i32
    %sign3A_80 = arith.constant 0 : i32
    %sign3A_81 = arith.cmpi sgt, %add3A_77, %sign3A_80 : i32
    %sign3A_82 = arith.extui %sign3A_81 : i1 to i32
    %sign3A_83 = arith.constant 0 : i32
    %sign3A_84 = arith.cmpi slt, %add3A_77, %sign3A_83 : i32
    %sign3A_85 = arith.extui %sign3A_84 : i1 to i32
    %sign3A_86 = arith.subi %sign3A_82, %sign3A_85 : i32
    %sign3A_87 = arith.constant 0 : i32
    %sign3A_88 = arith.cmpi sgt, %jit3A_78, %sign3A_87 : i32
    %sign3A_89 = arith.extui %sign3A_88 : i1 to i32
    %sign3A_90 = arith.constant 0 : i32
    %sign3A_91 = arith.cmpi slt, %jit3A_78, %sign3A_90 : i32
    %sign3A_92 = arith.extui %sign3A_91 : i1 to i32
    %sign3A_93 = arith.subi %sign3A_89, %sign3A_92 : i32
    %ne3A_94 = arith.cmpi ne, %sign3A_86, %sign3A_93 : i32
    %rem3A_95 = arith.remsi %add3A_77, %jit3A_78 : i32
    %ne3A_96 = arith.constant 0 : i32
    %ne3A_97 = arith.cmpi ne, %rem3A_95, %ne3A_96 : i32
    %and3A_98 = arith.andi %ne3A_94, %ne3A_97 : i1
    %sub3A_99 = arith.constant 1 : i32
    %sub3A_100 = arith.subi %div3A_79, %sub3A_99 : i32
    %select_n3A_101 = arith.select %and3A_98, %sub3A_100, %div3A_79 : i32
    %mul3A_102 = arith.constant 16384 : i32
    %mul3A_103 = arith.muli %select_n3A_101, %mul3A_102 : i32
    %sub3A_104 = arith.subi %add3A_77, %mul3A_103 : i32
    %dma_wait3A_105 = arith.constant 1 : i32
    %dma_wait3A_106 = arith.constant 0 : i32
    %dma_wait3A_107 = arith.constant 0 : i32
    %dma_wait3A_108 = arith.constant 0 : i32
    %dma_wait3A_109 = tpu.memref_slice %arg6[%dma_wait3A_105, %dma_wait3A_106, %dma_wait3A_107, %dma_wait3A_108] : memref<3x1x512x64xf32, #tpu.memory_space<vmem>> -> memref<1x1x512x64xf32, #tpu.memory_space<vmem>>
    %dma_wait3A_110 = tpu.memref_squeeze %dma_wait3A_109 : memref<1x1x512x64xf32, #tpu.memory_space<vmem>> -> memref<1x512x64xf32, #tpu.memory_space<vmem>>
    %dma_wait3A_111 = arith.constant 0 : i32
    %dma_wait3A_112 = tpu.memref_slice %arg4[%select_n3A_101, %sub3A_104, %dma_wait3A_111] : memref<50x16384x64xf32, #tpu.memory_space<hbm>> -> memref<1x512x64xf32, #tpu.memory_space<hbm>>
    %dma_wait3A_113 = arith.constant 0 : i32
    %dma_wait3A_114 = tpu.memref_slice %arg4[%select_n3A_101, %sub3A_104, %dma_wait3A_113] : memref<50x16384x64xf32, #tpu.memory_space<hbm>> -> memref<1x512x64xf32, #tpu.memory_space<hbm>>
    %dma_wait3A_115 = arith.constant 0 : i32
    %dma_wait3A_116 = arith.constant 0 : i32
    %dma_wait3A_117 = arith.constant 0 : i32
    %dma_wait3A_118 = tpu.memref_slice %arg6[%dma_wait3A_105, %dma_wait3A_115, %dma_wait3A_116, %dma_wait3A_117] : memref<3x1x512x64xf32, #tpu.memory_space<vmem>> -> memref<1x1x512x64xf32, #tpu.memory_space<vmem>>
    %dma_wait3A_119 = tpu.memref_squeeze %dma_wait3A_118 : memref<1x1x512x64xf32, #tpu.memory_space<vmem>> -> memref<1x512x64xf32, #tpu.memory_space<vmem>>
    tpu.wait_dma2 semaphore(%arg11 : memref<!tpu.dma_semaphore, #tpu.memory_space<semaphore_mem>>) src(%dma_wait3A_119 : memref<1x512x64xf32, #tpu.memory_space<vmem>>) dst(%dma_wait3A_114 : memref<1x512x64xf32, #tpu.memory_space<hbm>>)
    %add3A_120 = arith.constant 0 : i32
    %add3A_121 = arith.addi %mul3A_2, %add3A_120 : i32
    %jit3A_122 = arith.constant 16384 : i32
    %div3A_123 = arith.divsi %add3A_121, %jit3A_122 : i32
    %sign3A_124 = arith.constant 0 : i32
    %sign3A_125 = arith.cmpi sgt, %add3A_121, %sign3A_124 : i32
    %sign3A_126 = arith.extui %sign3A_125 : i1 to i32
    %sign3A_127 = arith.constant 0 : i32
    %sign3A_128 = arith.cmpi slt, %add3A_121, %sign3A_127 : i32
    %sign3A_129 = arith.extui %sign3A_128 : i1 to i32
    %sign3A_130 = arith.subi %sign3A_126, %sign3A_129 : i32
    %sign3A_131 = arith.constant 0 : i32
    %sign3A_132 = arith.cmpi sgt, %jit3A_122, %sign3A_131 : i32
    %sign3A_133 = arith.extui %sign3A_132 : i1 to i32
    %sign3A_134 = arith.constant 0 : i32
    %sign3A_135 = arith.cmpi slt, %jit3A_122, %sign3A_134 : i32
    %sign3A_136 = arith.extui %sign3A_135 : i1 to i32
    %sign3A_137 = arith.subi %sign3A_133, %sign3A_136 : i32
    %ne3A_138 = arith.cmpi ne, %sign3A_130, %sign3A_137 : i32
    %rem3A_139 = arith.remsi %add3A_121, %jit3A_122 : i32
    %ne3A_140 = arith.constant 0 : i32
    %ne3A_141 = arith.cmpi ne, %rem3A_139, %ne3A_140 : i32
    %and3A_142 = arith.andi %ne3A_138, %ne3A_141 : i1
    %sub3A_143 = arith.constant 1 : i32
    %sub3A_144 = arith.subi %div3A_123, %sub3A_143 : i32
    %select_n3A_145 = arith.select %and3A_142, %sub3A_144, %div3A_123 : i32
    %mul3A_146 = arith.constant 16384 : i32
    %mul3A_147 = arith.muli %select_n3A_145, %mul3A_146 : i32
    %sub3A_148 = arith.subi %add3A_121, %mul3A_147 : i32
    %dma_wait3A_149 = arith.constant 2 : i32
    %dma_wait3A_150 = arith.constant 0 : i32
    %dma_wait3A_151 = arith.constant 0 : i32
    %dma_wait3A_152 = arith.constant 0 : i32
    %dma_wait3A_153 = tpu.memref_slice %arg6[%dma_wait3A_149, %dma_wait3A_150, %dma_wait3A_151, %dma_wait3A_152] : memref<3x1x512x64xf32, #tpu.memory_space<vmem>> -> memref<1x1x512x64xf32, #tpu.memory_space<vmem>>
    %dma_wait3A_154 = tpu.memref_squeeze %dma_wait3A_153 : memref<1x1x512x64xf32, #tpu.memory_space<vmem>> -> memref<1x512x64xf32, #tpu.memory_space<vmem>>
    %dma_wait3A_155 = arith.constant 0 : i32
    %dma_wait3A_156 = tpu.memref_slice %arg4[%select_n3A_145, %sub3A_148, %dma_wait3A_155] : memref<50x16384x64xf32, #tpu.memory_space<hbm>> -> memref<1x512x64xf32, #tpu.memory_space<hbm>>
    %dma_wait3A_157 = arith.constant 0 : i32
    %dma_wait3A_158 = tpu.memref_slice %arg4[%select_n3A_145, %sub3A_148, %dma_wait3A_157] : memref<50x16384x64xf32, #tpu.memory_space<hbm>> -> memref<1x512x64xf32, #tpu.memory_space<hbm>>
    %dma_wait3A_159 = arith.constant 0 : i32
    %dma_wait3A_160 = arith.constant 0 : i32
    %dma_wait3A_161 = arith.constant 0 : i32
    %dma_wait3A_162 = tpu.memref_slice %arg6[%dma_wait3A_149, %dma_wait3A_159, %dma_wait3A_160, %dma_wait3A_161] : memref<3x1x512x64xf32, #tpu.memory_space<vmem>> -> memref<1x1x512x64xf32, #tpu.memory_space<vmem>>
    %dma_wait3A_163 = tpu.memref_squeeze %dma_wait3A_162 : memref<1x1x512x64xf32, #tpu.memory_space<vmem>> -> memref<1x512x64xf32, #tpu.memory_space<vmem>>
    tpu.wait_dma2 semaphore(%arg12 : memref<!tpu.dma_semaphore, #tpu.memory_space<semaphore_mem>>) src(%dma_wait3A_163 : memref<1x512x64xf32, #tpu.memory_space<vmem>>) dst(%dma_wait3A_158 : memref<1x512x64xf32, #tpu.memory_space<hbm>>)
    return
  }
}

</mosaic_0001>

<sc_bundles>
// kernel: kernel.3.cloned.1.call-start
scs
__scs_entry_jumppad:
0x0: {  	(pc) =	sbr.rel $0x88, $3  }
0x1: {  	(tag) =	ssettag $0x0;
	lr =	simm.s32 $0x1  }
0x2: {  	[smem:$0x3F9F] =	sst lr;
	_ =	strace $0xD0000000  }
0x3: {  	_ = 	snop  }
0x4: {  	_ = 	snop  }
0x5: {  	_ = 	snop  }
0x6: {  	_ = 	snop  }
0x7: {  	_ = 	snop  }
__scs_overlays_trampoline_lowered:
0x8: {  	[smem:$0x3FAE] =	sst s0  }
0x9: {  	[smem:$0x3FAF] =	sst s1  }
0xa: {  	[smem:$0x3FB0] =	sst s2  }
0xb: {  	[smem:$0x3FB1] =	sst s3  }
0xc: {  	[smem:$0x3FB2] =	sst s4  }
0xd: {  	[smem:$0x3FB3] =	sst s5  }
0xe: {  	[smem:$0x3FB4] =	sst s6  }
0xf: {  	[smem:$0x3FB5] =	sst s7  }
0x10: {  	[smem:$0x3FB6] =	sst s8  }
0x11: {  	[smem:$0x3FB7] =	sst s9;
	s0 =	simm.s32 @!p0 $0x0  }
0x12: {  	s1 =	sld [smem:$0x3F9D];
	s0 =	simm.s32 @p0 $0x1  }
0x13: {  	[smem:$0x3FB8] =	sst s0;
	s0 =	simm.s32 @!p1 $0x0  }
0x14: {  	s2 =	sld [smem:$0x3F9C];
	s0 =	simm.s32 @p1 $0x1  }
0x15: {  	[smem:$0x3FB9] =	sst s0;
	s0 =	simm.s32 @!p2 $0x0  }
0x16: {  	s3 =	sld [smem:$0x3FDB];
	s0 =	simm.s32 @p2 $0x1  }
0x17: {  	s4 =	simm.s32 $0x1BF5;
	[smem:$0x3FBB] =	sst s0  }
0x18: {  	s0 =	sld [smem:$0x3F9E];
	_ =	swait.ge [sflag:s4], $0x0  }
0x19: {  	s7 =	sld [smem:$0x3F9F]  }
0x1a: {  	s8 =	sadd.s32 $0xFFFFE003, lr  }
0x1b: {  	s9 =	sadd.s32 $0xFFFFFEF7, lr;
	s5 =	simm.s32 $0xFFFFFFFF;
	p2 =	slt.u32 s8, $0xFFFFF086  }
0x1c: {  	p1 =	slt.u32 s9, $0xF7A;
	s5 =	simm.s32 @!p2 $0x0  }
0x1d: {  	s5 =	simm.s32 @p1 $0x1;
	p0 =	seq.s32 s7, s2  }
0x1e: {  	s7 =	smul.u32 @!p0 $0xF7A, s2;
	p2 =	seq.s32 @!p0 s5, $0x0  }
0x1f: {  	s9 =	smul.u32 $0xF7A, s1;
	s8 =	simm.s32 @!p0 $0x1BF5;
	p2 =	por !p2, p0  }
0x20: {  	[sflag:s8] =	ssyncset.s32 @!p0 $0xFFFFF086;
	s6 =	sadd.s32 @!p0 s3, s7;
	s7 =	simm.s32 @!p0 $0x108  }
0x21: {  	s3 =	sadd.s32 s3, s9;
	s6 =	sadd.s32 @!p0 $0x88, s6;
	s7 =	simm.s32 @p2 $0x1082  }
0x22: {  	[simem:s7], [sflag:s8] =	dma.local @!p0 [hbm:s6], $0xF7A  }
0x23: {  	s9 =	sor.u32 $0xD0000000, s2;
	s6 =	simm.s32 $0x108;
	_ =	swait.ge @!p0 [sflag:s8], $0x0  }
0x24: {  	s3 =	sadd.s32 $0x88, s3;
	s6 =	simm.s32 @!p1 $0x1082;
	[sflag:s4] =	ssyncset.s32 $0xFFFFF086  }
0x25: {  	[simem:s6], [sflag:s4] =	dma.local [hbm:s3], $0xF7A  }
0x26: {  	[smem:$0x3F9F] =	sst s1;
	(tag) =	ssettag s2;
	_ =	strace s9  }
0x27: {  	s1 =	sld [smem:$0x3FAF]  }
0x28: {  	s2 =	sld [smem:$0x3FB0]  }
0x29: {  	s4 =	sld [smem:$0x3FB2]  }
0x2a: {  	p0 =	seq.s32 s5, $0x0;
	s5 =	sld [smem:$0x3FB3]  }
0x2b: {  	s6 =	sld [smem:$0x3FB4]  }
0x2c: {  	s7 =	sld [smem:$0x3FB5]  }
0x2d: {  	s3 =	simm.s32 $0x108;
	s8 =	sld [smem:$0x3FB6]  }
0x2e: {  	s3 =	simm.s32 @!p0 $0x1082;
	s9 =	sld [smem:$0x3FB7]  }
0x2f: {  	lr =	sadd.s32 s0, s3;
	s0 =	sld [smem:$0x3FAE]  }
0x30: {  	s3 =	sld [smem:$0x3FB1]  }
0x31: {  	[smem:$0x3FBA] =	sst s10  }
0x32: {  	s10 =	sld [smem:$0x3FB8];
	_ =	sdelay $0x3  }
0x33: {  	p0 =	seq.s32 s10, $0x1;
	s10 =	sld [smem:$0x3FBA];
	_ =	sdelay $0x3  }
0x34: {  	[smem:$0x3FBA] =	sst s10  }
0x35: {  	s10 =	sld [smem:$0x3FB9];
	_ =	sdelay $0x3  }
0x36: {  	p1 =	seq.s32 s10, $0x1;
	s10 =	sld [smem:$0x3FBA];
	_ =	sdelay $0x3  }
0x37: {  	[smem:$0x3FBA] =	sst s10  }
0x38: {  	s10 =	sld [smem:$0x3FBB]  }
0x39: {  	_ = 	snop;
	(pc) =	sbr.ind lr, $3  }
0x3a: {  	_ = 	snop  }
0x3b: {  	_ = 	snop  }
0x3c: {  	p2 =	seq.s32 s10, $0x1;
	s10 =	sld [smem:$0x3FBA]  }
0x3d: {  	_ =	shalt  }
0x3e: {  	_ =	shalt  }
0x3f: {  	_ =	shalt  }
0x40: {  	_ =	shalt  }
0x41: {  	_ =	shalt  }
0x42: {  	_ =	shalt  }
0x43: {  	_ =	shalt  }
0x44: {  	_ =	shalt  }
0x45: {  	_ =	shalt  }
0x46: {  	_ =	shalt  }
0x47: {  	_ =	shalt  }
0x48: {  	_ =	shalt  }
0x49: {  	_ =	shalt  }
0x4a: {  	_ =	shalt  }
0x4b: {  	_ =	shalt  }
0x4c: {  	_ =	shalt  }
0x4d: {  	_ =	shalt  }
0x4e: {  	_ =	shalt  }
0x4f: {  	_ =	shalt  }
0x50: {  	_ =	shalt  }
0x51: {  	_ =	shalt  }
0x52: {  	_ =	shalt  }
0x53: {  	_ =	shalt  }
0x54: {  	_ =	shalt  }
0x55: {  	_ =	shalt  }
0x56: {  	_ =	shalt  }
0x57: {  	_ =	shalt  }
0x58: {  	_ =	shalt  }
0x59: {  	_ =	shalt  }
0x5a: {  	_ =	shalt  }
0x5b: {  	_ =	shalt  }
0x5c: {  	_ =	shalt  }
0x5d: {  	_ =	shalt  }
0x5e: {  	_ =	shalt  }
0x5f: {  	_ =	shalt  }
0x60: {  	_ =	shalt  }
0x61: {  	_ =	shalt  }
0x62: {  	_ =	shalt  }
0x63: {  	_ =	shalt  }
0x64: {  	_ =	shalt  }
0x65: {  	_ =	shalt  }
0x66: {  	_ =	shalt  }
0x67: {  	_ =	shalt  }
0x68: {  	_ =	shalt  }
0x69: {  	_ =	shalt  }
0x6a: {  	_ =	shalt  }
0x6b: {  	_ =	shalt  }
0x6c: {  	_ =	shalt  }
0x6d: {  	_ =	shalt  }
0x6e: {  	_ =	shalt  }
0x6f: {  	_ =	shalt  }
0x70: {  	_ =	shalt  }
0x71: {  	_ =	shalt  }
0x72: {  	_ =	shalt  }
0x73: {  	_ =	shalt  }
0x74: {  	_ =	shalt  }
0x75: {  	_ =	shalt  }
0x76: {  	_ =	shalt  }
0x77: {  	_ =	shalt  }
0x78: {  	_ =	shalt  }
0x79: {  	_ =	shalt  }
0x7a: {  	_ =	shalt  }
0x7b: {  	_ =	shalt  }
0x7c: {  	_ =	shalt  }
0x7d: {  	_ =	shalt  }
0x7e: {  	_ =	shalt  }
0x7f: {  	_ =	shalt  }
0x80: {  	_ =	shalt  }
0x81: {  	_ =	shalt  }
0x82: {  	_ =	shalt  }
0x83: {  	_ =	shalt  }
0x84: {  	_ =	shalt  }
0x85: {  	_ =	shalt  }
0x86: {  	_ =	shalt  }
0x87: {  	_ =	shalt  }
.Lfunc_end0:
.L_simem_size_0:
called_computation.1_lowered:
.L_overlay_start_0:
0x88: {  	s2 =	sld [smem:$0x3FD9]  }
0x89: {  	s3 =	sld [smem:$0x3FFE];
	_ =	sdelay $0x1  }
0x8a: {  	s1 =	srdreg.scid  }
0x8b: {  	s0 =	sand.u32 $0x1, s1  }
0x8c: {  	s17 =	sshll.u32 s0, $0xA;
	s2 =	sadd.s32 s3, s2  }
0x8d: {  	s2 =	sadd.s32 s2, s17  }
0x8e: {  	[smem:$0x3FC6] =	sst s2  }
0x8f: {  	_ = 	snop  }
0x90: {  	s2 =	sld [smem:$0x3FD0];
	(tm) =	ssettm $0x1  }
0x91: {  	s18 =	sld [smem:$0x3FFB];
	_ =	sdelay $0x3  }
0x92: {  	_ =	strace s18  }
0x93: {  	s3 =	sld [smem:$0x3FFC];
	_ =	sdelay $0x3  }
0x94: {  	_ =	strace s3  }
0x95: {  	s3 =	sld [smem:$0x3FFD];
	_ =	sdelay $0x3  }
0x96: {  	_ =	strace s3  }
0x97: {  	_ =	strace $0x8FFFFFFF  }
0x98: {  	s19 =	sld [smem:$0x3FDB];
	_ =	sdelay $0x1  }
0x99: {  	s4 =	simm.s32 $_scs_section_size  }
0x9a: {  	s5 =	simm.s32 $_size__tile_overlayer_lowered;
	s6 =	simm.s32 $_tile_overlayer_lowered  }
0x9b: {  	s22 =	simm.s32 $0x1BFF;
	s21 =	sshll.u32 s6, $0x1;
	s3 =	sadd.s32 s4, s19  }
0x9c: {  	s7 =	simm.s32 $0x0;
	s20 =	sshll.u32 s5, $0x1;
	s5 =	sadd.s32 s21, s3  }
0x9d: {  	[timem:s7], [sflag:s22] =	dma.local [hbm:s5], s20  }
0x9e: {  	_ =	swait.ge [sflag:s22], s20  }
0x9f: {  	s4 =	ssub.s32 $0x0, s20;
	[sflag:s22] =	ssyncset.done $0x0  }
0xa0: {  	[sflag:s22] =	ssyncadd.s32 s4;
	_ =	sdelay $0x1  }
0xa1: {  	s23 =	simm.s32 $0x1B8B  }
0xa2: {  	_ =	swait.ge [sflag:s23], $0x1  }
0xa3: {  	[sflag:s23] =	ssyncset.done $0x0  }
0xa4: {  	s25 =	simm.s32 $0x1B8E;
	s24 =	sld [smem:$0x3FFE];
	[sflag:s23] =	ssyncadd.s32 $0xFFFFFFFF  }
0xa5: {  	s26 =	simm.s32 $execute0_lowered;
	[smem:$0x3FD2] =	sst s25  }
0xa6: {  	s5 =	sshll.u32 s26, $0x1;
	_ =	strace $0x80000046;
	[dreg:$0x1] =	wrdreg $0xFFFFFFFF  }
0xa7: {  	s28 =	simm.s32 $_size_execute0_lowered;
	s3 =	sadd.s32 s3, s5;
	[dreg:$0x0] =	wrdreg $0x0  }
0xa8: {  	s5 =	sshll.u32 s28, $0x1;
	[dreg:$0x2] =	wrdreg s3  }
0xa9: {  	[dreg:$0x3] =	wrdreg s5  }
0xaa: {  	[dreg:$0x4] =	wrdreg $0xC0  }
0xab: {  	_ =	task [dreg:s7], $0x5FFFF  }
0xac: {  	[dreg:$0x1] =	wrdreg $0xFFFFFFFF  }
0xad: {  	[dreg:$0x0] =	wrdreg $0x60  }
0xae: {  	[dreg:$0x2] =	wrdreg s24  }
0xaf: {  	[dreg:$0x3] =	wrdreg s2  }
0xb0: {  	[dreg:$0x4] =	wrdreg $0x9  }
0xb1: {  	_ =	task.clear_ibuf [dreg:s7], $0x5FFFF;
	_ =	strace $0x90000046  }
0xb2: {  	s29 =	simm.s32 $0x9;
	_ =	strace $0x80000048  }
0xb3: {  	_ =	swait.ge [sflag:s29], $0x1  }
0xb4: {  	[sflag:s29] =	ssyncadd.s32 $0xFFFFFFFF  }
0xb5: {  	_ =	strace $0x90000048  }
0xb6: {  	_ =	sfence  }
0xb7: {  	s30 =	sld [smem:$0x0];
	_ =	sdelay $0x2  }
0xb8: {  	s31 =	sshll.u32 s1, $0xD;
	s1 =	sshrl.u32 s1, $0x2  }
0xb9: {  	s3 =	sand.u32 $0x4000, s31;
	s1 =	sadd.s32 s1, s30  }
0xba: {  	s0 =	sor.u32 s3, s0;
	s1 =	sshll.u32 s1, $0x11  }
0xbb: {  	s0 =	sor.u32 s1, s0  }
0xbc: {  	s0 =	sadd.s32 $0x8F2B, s0  }
0xbd: {  	[sflag:s0] =	ssyncadd.remote.s32 $0x1  }
0xbe: {  	_ =	sfence.sel $0xFFFF  }
0xbf: {  	[dreg:$0x0] =	wrdreg $0xFFFFFFFF;
	(pc) =	sbr.abs _section_cstart, $3  }
0xc0: {  	[dreg:$0x1] =	wrdreg $0xFFFFFFFF  }
0xc1: {  	_ =	task.clear_ibuf [dreg:s7], $0x2FFFF;
	_ =	strace $0x9FFFFFFF  }
0xc2: {  	(tm) =	ssettm $0x7FFFFFFF  }
0xc3: {  	_ =	shalt  }
tec
execute0_lowered:
.L_overlay_start_1:
0x0: {  	(tag) =	ssettag $0x1  }
0x1: {  	s1 =	srdreg.scid  }
0x2: {  	s0 =	stileid.u32;
	s3 =	rddreg [dreg:$0x0]  }
0x3: {  	s8 =	rddreg [dreg:$0x1];
	s2 =	simm.s32 $0x0;
	s13 =	simm.s32 $0x200  }
0x4: {  	s14 =	simm.s32 $0x6400;
	s15 =	simm.s32 $0xE400;
	s16 =	simm.s32 $0x400  }
0x5: {  	s17 =	simm.s32 $0x16400;
	s18 =	simm.s32 $0x1;
	s19 =	simm.s32 $0x4  }
0x6: {  	s20 =	simm.s32 $0x2;
	s21 =	simm.s32 $0x5;
	s22 =	simm.s32 $0x3  }
0x7: {  	s23 =	simm.s32 $0x6;
	s24 =	simm.s32 $0x0;
	s6 =	sand.u32 $0x1, s1  }
0x8: {  	s30 =	sshll.u32 s0, $0x1;
	s1 =	rddreg [dreg:$0x2];
	s31 =	smul.u32 $0x64000, s0  }
0x9: {  	[smem:$0x7FF] =	sst s2;
	s4 =	sor.u32 s6, s30;
	s11 =	smul.u32 $0x32000, s6  }
0xa: {  	_ =	strace $0x80000047;
	s7 =	ssub.s32 $0x2, s6;
	s5 =	smul.u32 $0x6400, s4  }
0xb: {  	s9 =	sshrl.u32 s7, $0x1;
	s10 =	smul.u32 $0x32000, s4;
	s12 =	sadd.s32 s31, s8  }
0xc: {  	s7 =	ssub.s32 s7, s9;
	s11 =	sadd.s32 s11, s12;
	s12 =	simm.s32 $0x7  }
0xd: {  	s5 =	sshrl.u32 s5, $0x3;
	s10 =	sadd.s32 s8, s10;
	s11 =	sadd.s32 $0x2000, s11  }
0xe: {  	s5 =	sadd.s32 s5, s3;
	s3 =	sadd.s32 $0xF42E00, s3;
	s6 =	sadd.s32 $0x30000, s10  }
0xf: {  	s8 =	sadd.s32 $0x2D000, s10;
	s9 =	sadd.s32 $0x2E000, s10;
	s4 =	sadd.s32 $0xA00, s5  }
0x10: {  	s5 =	smax.u32 s7, $0x1;
	s7 =	sadd.s32 $0x31000, s10;
	s10 =	sadd.s32 $0x2F000, s10  }
.LBB2_1:
0x11: {  	[tilespmem:s2], [sflag:$0x7] =	stream.linear.gather [hbm4b:s4+s2], $0x6400, $0x38;
	[tilespmem:$0x1E400] =	vst v63  }
0x12: {  	_ =	swait.ge [sflag:s12], $0x6400  }
0x13: {  	[sflag:s12] =	ssyncset.done $0x0  }
0x14: {  	[sflag:s12] =	ssyncadd.s32 $0xFFFF9C00  }
0x15: {  	[tilespmem:s14], [sflag:$0x1] =	stream.indirect.gather [hbm4b:s3+s13], $0x40, s2, s13, $0xb8;
	[tilespmem:$0x1E400] =	vst v63  }
0x16: {  	_ = 	snop  }
0x17: {  	[tilespmem:s15], [sflag:$0x2] =	stream.indirect.gather [hbm4b:s3+s13], $0x40, s13, s13, $0xb8;
	[tilespmem:$0x1E400] =	vst v63  }
0x18: {  	_ = 	snop  }
0x19: {  	[tilespmem:s17], [sflag:$0x3] =	stream.indirect.gather [hbm4b:s3+s13], $0x40, s16, s13, $0xb8;
	[tilespmem:$0x1E400] =	vst v63  }
0x1a: {  	_ =	swait.ge [sflag:s18], $0x8000  }
0x1b: {  	[sflag:s18] =	ssyncset.done $0x0  }
0x1c: {  	s25 =	sadd.s32 $0xFFFFE000, s11;
	[sflag:s18] =	ssyncadd.s32 $0xFFFF8000  }
0x1d: {  	[hbm4b:s25+s2] =	stream.linear.scatter [tilespmem:s14], [sflag:$0x4], $0x8000, $0x38;
	[tilespmem:$0x1E400] =	vst v63  }
0x1e: {  	_ =	swait.ge [sflag:s19], $0x8000  }
0x1f: {  	[sflag:s19] =	ssyncset.done $0x0  }
0x20: {  	s29 =	simm.s32 $0x600;
	[sflag:s19] =	ssyncadd.s32 $0xFFFF8000  }
0x21: {  	[tilespmem:s14], [sflag:$0x1] =	stream.indirect.gather [hbm4b:s3+s13], $0x40, s29, s13, $0xb8;
	[tilespmem:$0x1E400] =	vst v63  }
0x22: {  	_ =	swait.ge [sflag:s20], $0x8000  }
0x23: {  	[sflag:s20] =	ssyncset.done $0x0  }
0x24: {  	s30 =	sadd.s32 $0xFFFFF000, s11;
	[sflag:s20] =	ssyncadd.s32 $0xFFFF8000  }
0x25: {  	[hbm4b:s30+s2] =	stream.linear.scatter [tilespmem:s15], [sflag:$0x5], $0x8000, $0x38;
	[tilespmem:$0x1E400] =	vst v63  }
0x26: {  	_ =	swait.ge [sflag:s21], $0x8000  }
0x27: {  	[sflag:s21] =	ssyncset.done $0x0  }
0x28: {  	s31 =	simm.s32 $0x800;
	[sflag:s21] =	ssyncadd.s32 $0xFFFF8000  }
0x29: {  	[tilespmem:s15], [sflag:$0x2] =	stream.indirect.gather [hbm4b:s3+s13], $0x40, s31, s13, $0xb8;
	[tilespmem:$0x1E400] =	vst v63  }
0x2a: {  	_ =	swait.ge [sflag:s22], $0x8000  }
0x2b: {  	[sflag:s22] =	ssyncset.done $0x0  }
0x2c: {  	[sflag:s22] =	ssyncadd.s32 $0xFFFF8000  }
0x2d: {  	[hbm4b:s11+s2] =	stream.linear.scatter [tilespmem:s17], [sflag:$0x6], $0x8000, $0x38;
	[tilespmem:$0x1E400] =	vst v63  }
0x2e: {  	_ =	swait.ge [sflag:s23], $0x8000  }
0x2f: {  	s28 =	simm.s32 $0xA00;
	[sflag:s23] =	ssyncset.done $0x0  }
0x30: {  	s26 =	sadd.s32 $0x3000, s11;
	s25 =	simm.s32 $0x1800;
	[sflag:s23] =	ssyncadd.s32 $0xFFFF8000  }
.LBB2_2:
0x31: {  	[tilespmem:s17], [sflag:$0x3] =	stream.indirect.gather [hbm4b:s3+s13], $0x40, s28, s13, $0xb8;
	[tilespmem:$0x1E400] =	vst v63  }
0x32: {  	s28 =	smov.u32 s25;
	s25 =	sadd.s32 $0x1800, s25;
	_ =	swait.ge [sflag:s18], $0x8000  }
0x33: {  	p0 =	sne.s32 s25, $0x16800;
	[sflag:s18] =	ssyncset.done $0x0  }
0x34: {  	s29 =	sadd.s32 $0xFFFFE000, s26;
	[sflag:s18] =	ssyncadd.s32 $0xFFFF8000  }
0x35: {  	[hbm4b:s29+s2] =	stream.linear.scatter [tilespmem:s14], [sflag:$0x4], $0x8000, $0x38;
	[tilespmem:$0x1E400] =	vst v63  }
0x36: {  	_ =	swait.ge [sflag:s19], $0x8000  }
0x37: {  	s28 =	sshra.s32 s28, $0x2;
	[sflag:s19] =	ssyncset.done $0x0  }
0x38: {  	s29 =	sadd.s32 $0x600, s28;
	[sflag:s19] =	ssyncadd.s32 $0xFFFF8000  }
0x39: {  	[tilespmem:s14], [sflag:$0x1] =	stream.indirect.gather [hbm4b:s3+s13], $0x40, s29, s13, $0xb8;
	[tilespmem:$0x1E400] =	vst v63  }
0x3a: {  	_ =	swait.ge [sflag:s20], $0x8000  }
0x3b: {  	[sflag:s20] =	ssyncset.done $0x0  }
0x3c: {  	s29 =	sadd.s32 $0xFFFFF000, s26;
	[sflag:s20] =	ssyncadd.s32 $0xFFFF8000  }
0x3d: {  	[hbm4b:s29+s2] =	stream.linear.scatter [tilespmem:s15], [sflag:$0x5], $0x8000, $0x38;
	[tilespmem:$0x1E400] =	vst v63  }
0x3e: {  	_ =	swait.ge [sflag:s21], $0x8000  }
0x3f: {  	[sflag:s21] =	ssyncset.done $0x0  }
0x40: {  	s29 =	sadd.s32 $0x800, s28;
	[sflag:s21] =	ssyncadd.s32 $0xFFFF8000  }
0x41: {  	[tilespmem:s15], [sflag:$0x2] =	stream.indirect.gather [hbm4b:s3+s13], $0x40, s29, s13, $0xb8;
	[tilespmem:$0x1E400] =	vst v63  }
0x42: {  	_ =	swait.ge [sflag:s22], $0x8000  }
0x43: {  	[sflag:s22] =	ssyncset.done $0x0  }
.Ltmp0:
0x44: {  	[sflag:s22] =	ssyncadd.s32 $0xFFFF8000;
	(pc) =	sbr.rel @p0 .LBB2_2-.Ltmp0, $4  }
0x45: {  	[hbm4b:s26+s2] =	stream.linear.scatter [tilespmem:s17], [sflag:$0x6], $0x8000, $0x38;
	[tilespmem:$0x1E400] =	vst v63  }
0x46: {  	_ =	swait.ge [sflag:s23], $0x8000  }
0x47: {  	[sflag:s23] =	ssyncset.done $0x0  }
0x48: {  	s28 =	sadd.s32 $0xA00, s28;
	s26 =	sadd.s32 $0x3000, s26;
	[sflag:s23] =	ssyncadd.s32 $0xFFFF8000  }
0x49: {  	[tilespmem:s17], [sflag:$0x3] =	stream.indirect.gather [hbm4b:s3+s13], $0x40, s28, s13, $0xb8;
	[tilespmem:$0x1E400] =	vst v63  }
0x4a: {  	_ =	swait.ge [sflag:s18], $0x8000  }
0x4b: {  	[sflag:s18] =	ssyncset.done $0x0  }
0x4c: {  	[sflag:s18] =	ssyncadd.s32 $0xFFFF8000  }
0x4d: {  	[hbm4b:s8+s2] =	stream.linear.scatter [tilespmem:s14], [sflag:$0x4], $0x8000, $0x38;
	[tilespmem:$0x1E400] =	vst v63  }
0x4e: {  	_ =	swait.ge [sflag:s19], $0x8000  }
0x4f: {  	s25 =	sshra.s32 s25, $0x2;
	[sflag:s19] =	ssyncset.done $0x0  }
0x50: {  	s26 =	sadd.s32 $0x600, s25;
	[sflag:s19] =	ssyncadd.s32 $0xFFFF8000  }
0x51: {  	[tilespmem:s14], [sflag:$0x1] =	stream.indirect.gather [hbm4b:s3+s13], $0x40, s26, s13, $0xb8;
	[tilespmem:$0x1E400] =	vst v63  }
0x52: {  	_ =	swait.ge [sflag:s20], $0x8000  }
0x53: {  	[sflag:s20] =	ssyncset.done $0x0  }
0x54: {  	[sflag:s20] =	ssyncadd.s32 $0xFFFF8000  }
0x55: {  	[hbm4b:s9+s2] =	stream.linear.scatter [tilespmem:s15], [sflag:$0x5], $0x8000, $0x38;
	[tilespmem:$0x1E400] =	vst v63  }
0x56: {  	_ =	swait.ge [sflag:s21], $0x8000  }
0x57: {  	[sflag:s21] =	ssyncset.done $0x0  }
0x58: {  	s25 =	sadd.s32 $0x800, s25;
	[sflag:s21] =	ssyncadd.s32 $0xFFFF8000  }
0x59: {  	[tilespmem:s15], [sflag:$0x2] =	stream.indirect.gather [hbm4b:s3+s13], $0x40, s25, s13, $0xb8;
	[tilespmem:$0x1E400] =	vst v63  }
0x5a: {  	_ =	swait.ge [sflag:s22], $0x8000  }
0x5b: {  	[sflag:s22] =	ssyncset.done $0x0  }
0x5c: {  	[sflag:s22] =	ssyncadd.s32 $0xFFFF8000  }
0x5d: {  	[hbm4b:s10+s2] =	stream.linear.scatter [tilespmem:s17], [sflag:$0x6], $0x8000, $0x38;
	[tilespmem:$0x1E400] =	vst v63  }
0x5e: {  	_ =	swait.ge [sflag:s18], $0x8000  }
0x5f: {  	[sflag:s18] =	ssyncset.done $0x0  }
0x60: {  	[sflag:s18] =	ssyncadd.s32 $0xFFFF8000  }
0x61: {  	[hbm4b:s6+s2] =	stream.linear.scatter [tilespmem:s14], [sflag:$0x4], $0x8000, $0x38;
	[tilespmem:$0x1E400] =	vst v63  }
0x62: {  	_ =	swait.ge [sflag:s20], $0x8000  }
0x63: {  	[sflag:s20] =	ssyncset.done $0x0  }
0x64: {  	[sflag:s20] =	ssyncadd.s32 $0xFFFF8000  }
0x65: {  	[hbm4b:s7+s2] =	stream.linear.scatter [tilespmem:s15], [sflag:$0x5], $0x8000, $0x38;
	[tilespmem:$0x1E400] =	vst v63  }
0x66: {  	_ =	swait.ge [sflag:s19], $0x8000  }
0x67: {  	[sflag:s19] =	ssyncset.done $0x0  }
0x68: {  	s24 =	sadd.s32 $0x1, s24;
	[sflag:s19] =	ssyncadd.s32 $0xFFFF8000  }
0x69: {  	p0 =	sne.s32 s24, s5;
	_ =	swait.ge [sflag:s21], $0x8000  }
.Ltmp1:
0x6a: {  	[sflag:s21] =	ssyncset.done $0x0;
	(pc) =	sbr.rel @p0 .LBB2_1-.Ltmp1, $4  }
0x6b: {  	[sflag:s21] =	ssyncadd.s32 $0xFFFF8000  }
0x6c: {  	_ =	swait.ge [sflag:s23], $0x8000  }
0x6d: {  	[sflag:s23] =	ssyncset.done $0x0  }
0x6e: {  	[sflag:s23] =	ssyncadd.s32 $0xFFFF8000  }
0x6f: {  	_ =	sfence.sel $0x180000  }
0x70: {  	[bflag:$0x0] =	sbarrier.arrive $0xFFFF  }
0x71: {  	p0 =	sne.s32 s0, $0x0;
	_ =	strace $0x90000047  }
0x72: {  	s0 =	sadd.s32 @!p0 $0x100000, s1;
	[bflag:$0x2] =	sbarrier.arrive $0xFFFF  }
0x73: {  	[sflag:s0] =	ssyncadd.tile.s32 @!p0 $0x1;
	_ =	shalt  }
.Lfunc_end2:
_tile_overlayer_lowered:
.L_overlay_start_2:
0x74: {  	(tag) =	ssettag $0x2  }
0x75: {  	s0 =	rddreg [dreg:$0x0];
	s2 =	stileid.u32  }
0x76: {  	s1 =	rddreg [dreg:$0x1];
	p0 =	sne.s32 s2, $0x0  }
0x77: {  	s3 =	rddreg [dreg:$0x2];
	[bflag:$0x3] =	sbarrier.arrive $0xFFFF;
	s2 =	simm.s32 @!p0 $0x1C07  }
0x78: {  	[timem:s3], [sflag:s2] =	dma.local @!p0 [hbm:s0], s1  }
0x79: {  	s0 =	simm.s32 @!p0 $0x7  }
0x7a: {  	_ =	swait.ge @!p0 [sflag:s0], s1  }
0x7b: {  	s1 =	ssub.s32 @!p0 $0x0, s1;
	[sflag:s0] =	ssyncset.done @!p0 $0x0  }
0x7c: {  	[sflag:s0] =	ssyncadd.s32 @!p0 s1  }
0x7d: {  	[bflag:$0x3] =	sbarrier.arrive $0xFFFF  }
0x7e: {  	_ =	shalt  }

// kernel: sparse-core-data-format-call.cloned.1.call-start
scs
called_computation_lowered:
.L_overlay_start_0:
0x0: {  	s2 =	sld [smem:$0x3FD9]  }
0x1: {  	s3 =	sld [smem:$0x3FFE];
	_ =	sdelay $0x1  }
0x2: {  	s1 =	srdreg.scid  }
0x3: {  	s0 =	sand.u32 $0x1, s1  }
0x4: {  	s18 =	sshll.u32 s0, $0xA;
	s2 =	sadd.s32 s3, s2  }
0x5: {  	s2 =	sadd.s32 s2, s18  }
0x6: {  	[smem:$0x3FC6] =	sst s2  }
0x7: {  	_ = 	snop  }
0x8: {  	s2 =	sld [smem:$0x3FD0];
	(tm) =	ssettm $0x1  }
0x9: {  	s19 =	sld [smem:$0x3FFB];
	_ =	sdelay $0x3  }
0xa: {  	_ =	strace s19  }
0xb: {  	s3 =	sld [smem:$0x3FFC];
	_ =	sdelay $0x3  }
0xc: {  	_ =	strace s3  }
0xd: {  	s3 =	sld [smem:$0x3FFD];
	_ =	sdelay $0x3  }
0xe: {  	_ =	strace s3  }
0xf: {  	_ =	strace $0x8FFFFFFF  }
0x10: {  	s20 =	sld [smem:$0x3FDB];
	_ =	sdelay $0x1  }
0x11: {  	s4 =	simm.s32 $_scs_section_size  }
0x12: {  	s5 =	simm.s32 $_size__tile_overlayer_lowered;
	s6 =	simm.s32 $_tile_overlayer_lowered  }
0x13: {  	s23 =	simm.s32 $0x1BFF;
	s22 =	sshll.u32 s6, $0x1;
	s3 =	sadd.s32 s4, s20  }
0x14: {  	s7 =	simm.s32 $0x0;
	s21 =	sshll.u32 s5, $0x1;
	s5 =	sadd.s32 s22, s3  }
0x15: {  	[timem:s7], [sflag:s23] =	dma.local [hbm:s5], s21  }
0x16: {  	_ =	swait.ge [sflag:s23], s21  }
0x17: {  	s4 =	ssub.s32 $0x0, s21;
	[sflag:s23] =	ssyncset.done $0x0  }
0x18: {  	[sflag:s23] =	ssyncadd.s32 s4;
	_ =	sdelay $0x1  }
0x19: {  	s24 =	simm.s32 $0x1B8B  }
0x1a: {  	_ =	swait.ge [sflag:s24], $0x1  }
0x1b: {  	[sflag:s24] =	ssyncset.done $0x0  }
0x1c: {  	s26 =	simm.s32 $0x1B8E;
	s25 =	sld [smem:$0x3FFE];
	[sflag:s24] =	ssyncadd.s32 $0xFFFFFFFF  }
0x1d: {  	s27 =	simm.s32 $execute0_lowered;
	[smem:$0x3FD2] =	sst s26  }
0x1e: {  	s5 =	sshll.u32 s27, $0x1;
	_ =	strace $0x80000049;
	[dreg:$0x1] =	wrdreg $0xFFFFFFFF  }
0x1f: {  	s28 =	simm.s32 $_size_execute0_lowered;
	s3 =	sadd.s32 s3, s5;
	[dreg:$0x0] =	wrdreg $0x0  }
0x20: {  	s5 =	sshll.u32 s28, $0x1;
	[dreg:$0x2] =	wrdreg s3  }
0x21: {  	[dreg:$0x3] =	wrdreg s5  }
0x22: {  	[dreg:$0x4] =	wrdreg $0xC0  }
0x23: {  	_ =	task [dreg:s7], $0x5FFFF  }
0x24: {  	[dreg:$0x1] =	wrdreg $0xFFFFFFFF  }
0x25: {  	[dreg:$0x0] =	wrdreg $0x60  }
0x26: {  	[dreg:$0x2] =	wrdreg s25  }
0x27: {  	[dreg:$0x3] =	wrdreg s2  }
0x28: {  	[dreg:$0x4] =	wrdreg $0x9  }
0x29: {  	_ =	task.clear_ibuf [dreg:s7], $0x5FFFF;
	_ =	strace $0x90000049  }
0x2a: {  	s29 =	simm.s32 $0x9;
	_ =	strace $0x8000004B  }
0x2b: {  	_ =	swait.ge [sflag:s29], $0x1  }
0x2c: {  	[sflag:s29] =	ssyncadd.s32 $0xFFFFFFFF  }
0x2d: {  	_ =	strace $0x9000004B  }
0x2e: {  	_ =	sfence  }
0x2f: {  	s30 =	sld [smem:$0x0];
	_ =	sdelay $0x2  }
0x30: {  	s31 =	sshll.u32 s1, $0xD;
	s1 =	sshrl.u32 s1, $0x2  }
0x31: {  	s3 =	sand.u32 $0x4000, s31;
	s1 =	sadd.s32 s1, s30  }
0x32: {  	s0 =	sor.u32 s3, s0;
	s1 =	sshll.u32 s1, $0x11  }
0x33: {  	s0 =	sor.u32 s1, s0  }
0x34: {  	s0 =	sadd.s32 $0x8F2B, s0  }
0x35: {  	[sflag:s0] =	ssyncadd.remote.s32 $0x1  }
0x36: {  	_ =	sfence.sel $0xFFFF  }
0x37: {  	[dreg:$0x0] =	wrdreg $0xFFFFFFFF;
	(pc) =	sbr.abs _section_cstart, $3  }
0x38: {  	[dreg:$0x1] =	wrdreg $0xFFFFFFFF  }
0x39: {  	_ =	task.clear_ibuf [dreg:s7], $0x2FFFF;
	_ =	strace $0x9FFFFFFF  }
0x3a: {  	(tm) =	ssettm $0x7FFFFFFF  }
0x3b: {  	_ =	shalt  }
tec
execute0_lowered:
.L_overlay_start_1:
0x0: {  	(tag) =	ssettag $0x1  }
0x1: {  	s0 =	srdreg.scid  }
0x2: {  	s1 =	sshll.u32 s0, $0x4  }
0x3: {  	s0 =	stileid.u32;
	s1 =	sand.u32 $0x10, s1  }
0x4: {  	s7 =	rddreg [dreg:$0x0];
	s1 =	sor.u32 s0, s1  }
0x5: {  	s4 =	simm.s32 $0x1;
	s8 =	simm.s32 $0x2;
	s2 =	sshll.u32 s1, $0x7  }
0x6: {  	s13 =	simm.s32 $0x0;
	s9 =	simm.s32 $0x20000;
	s1 =	ssub.s32 $0x4000, s2  }
0x7: {  	s14 =	simm.s32 $0x0;
	s11 =	simm.s32 $0x0;
	s3 =	sand.u32 $0xF80, s1  }
0x8: {  	s12 =	simm.s32 $0x0;
	s5 =	sshrl.u32 s1, $0xC;
	p0 =	sne.s32 s3, $0x0  }
.Ltmp0:
0x9: {  	s1 =	rddreg [dreg:$0x2];
	s4 =	simm.s32 @!p0 $0x0;
	(pc) =	sbr.rel .LBB1_1-.Ltmp0, $4  }
0xa: {  	s6 =	sadd.s32 $0xA00, s7;
	s3 =	rddreg [dreg:$0x1];
	s5 =	sadd.s32 s4, s5  }
0xb: {  	_ =	strace $0x8000004A;
	s4 =	simm.s32 $0x1;
	s5 =	smul.u32 $0x19, s5  }
0xc: {  	s7 =	sadd.s32 $0x40A00, s7;
	s10 =	smov.u32 s2;
	[sflag:s4] =	ssyncpa.u1 $0x0  }
0xd: {  	p0 =	por $0x0, $0x0;
	[sflag:s8] =	ssyncpa.u1 $0x0;
	s8 =	sadd.s32 $0x1, s5  }
.LBB1_7:
0xe: {  	s15 =	sadd.s32 $0x1000, s10  }
0xf: {  	s13 =	sadd.s32 $0x2, s11;
	s17 =	smov.u32 s11;
	p2 =	sgt.s32 s15, $0x3FFF  }
0x10: {  	s17 =	smov.u32 @p2 s13  }
0x11: {  	s15 =	smov.u32 @p2 s2;
	p2 =	sgt.s32 s17, $0x31  }
0x12: {  	s17 =	simm.s32 @p2 $0x0;
	p2 =	sne.s32 s12, s8  }
.Ltmp1:
0x13: {  	p1 =	slt.u32 s12, $0x2;
	(pc) =	sbr.rel @!p2 .LBB1_8-.Ltmp1, $4  }
0x14: {  	s16 =	simm.s32 @!p1 $0x2  }
0x15: {  	s14 =	smov.u32 s11;
	p0 =	por !p0, !p0;
	_ =	swait.ge @!p1 [sflag:s16], $0x4000  }
0x16: {  	s13 =	smov.u32 s10;
	[sflag:s16] =	ssyncset.done @!p1 $0x0;
	s10 =	smov.u32 s15  }
0x17: {  	s12 =	sadd.s32 $0x1, s12;
	[sflag:s16] =	ssyncadd.s32 @!p1 $0xFFFFC000;
	s11 =	smov.u32 s17  }
.LBB1_1:
0x18: {  	p1 =	sge.u32 s12, s5  }
0x19: {  	s15 =	sxor.u32 @!p1 $0xFFFFFFFF, s12;
	s16 =	sshll.u32 @!p1 s11, $0x12  }
0x1a: {  	s17 =	sshll.u32 @!p1 s10, $0x4;
	s19 =	simm.s32 @!p1 $0x40;
	s20 =	simm.s32 @!p1 $0x80  }
0x1b: {  	s15 =	sshll.u32 @!p1 s15, $0xE;
	s17 =	sand.u32 @!p1 $0x3FFF0, s17;
	s18 =	sadd.s32 @!p1 s6, s16  }
0x1c: {  	s16 =	sadd.s32 @!p1 s16, s7;
	s15 =	sand.u32 @!p1 $0x4000, s15;
	s18 =	sadd.s32 @!p1 s17, s18  }
0x1d: {  	[tilespmem:s15], [sflag:$0x1] =	stream.strided.gather @!p1 [hbm4b:s18+s19], $0x2000, s20, s19, $0x38;
	[tilespmem:$0x10100] =	vst v63  }
0x1e: {  	s31 =	sadd.s32 $0xFFFFFFFF, s12;
	s16 =	sadd.s32 @!p1 s17, s16;
	s15 =	sor.u32 @!p1 $0x2000, s15  }
0x1f: {  	[tilespmem:s15], [sflag:$0x1] =	stream.strided.gather @!p1 [hbm4b:s16+s19], $0x2000, s20, s19, $0x38;
	[tilespmem:$0x10100] =	vst v63  }
0x20: {  	p1 =	sge.u32 s31, s5  }
.Ltmp2:
0x21: {  	_ = 	snop;
	(pc) =	sbr.rel @p1 .LBB1_7-.Ltmp2, $1  }
0x22: {  	_ =	sdelay $0x3  }
0x23: {  	s15 =	simm.s32 $0x1;
	s17 =	sand.u32 $0x1, s12  }
0x24: {  	_ =	swait.ge [sflag:s4], $0x4000;
	s15 =	simm.s32 @!p0 $0x0;
	s17 =	smul.u32 $0x10200, s17  }
0x25: {  	p2 =	por $0x1, $0x1;
	[sflag:s4] =	ssyncset.done $0x0;
	s16 =	smul.u32 $0x10200, s15  }
0x26: {  	s18 =	sshll.u32 s15, $0x10;
	[sflag:s4] =	ssyncadd.s32 $0xFFFFC000;
	s30 =	sshrl.u32 s17, $0x2  }
0x27: {  	s31 =	sshrl.u32 s18, $0x2;
	s18 =	simm.s32 $0x0;
	s16 =	sshrl.u32 s16, $0x2  }
0x28: {  	s15 =	sor.u32 $0x8000, s30;
	s17 =	sadd.s32 $0x20, s31;
	s16 =	sor.u32 $0x8000, s16  }
.LBB1_3:
0x29: {  	s19 =	sshll.u32 s18, $0xD  }
0x2a: {  	s19 =	sand.u32 $0x3FFFE000, s19  }
0x2b: {  	s21 =	sadd.s32 s19, s17  }
0x2c: {  	s31 =	smul.u32 $0x8100, s18;
	v3 =	vld [tilespmem:s21+$0x10]  }
0x2d: {  	v1 =	vld [tilespmem:s21+$0xFFFFFFF0]  }
0x2e: {  	s18 =	sshra.s32 s31, $0x2;
	v0 =	vld [tilespmem:s21+$0x0]  }
0x2f: {  	s18 =	sadd.s32 s18, s16;
	v2 =	vld [tilespmem:s21+$0xFFFFFFE0]  }
0x30: {  	s19 =	sadd.s32 $0x0, s18  }
0x31: {  	p1 =	por p2, p2;
	s20 =	simm.s32 $0x4;
	s21 =	sadd.s32 $0x40, s21;
	[tilespmem:s19+$0x1830 ss:$0x81] =	vst.msk $0xffff, v3  }
.LBB1_4:
0x32: {  	v3 =	vld [tilespmem:s21+$0x10];
	p2 =	sne.s32 s20, $0x1FC;
	[tilespmem:s19+$0x810 ss:$0x81] =	vst.msk $0xffff, v1;
	s22 =	smov.u32 s20;
	s20 =	sadd.s32 $0x4, s20  }
.Ltmp3:
0x33: {  	v1 =	vld [tilespmem:s21+$0xFFFFFFF0];
	[tilespmem:s19+$0x1020 ss:$0x81] =	vst.msk $0xffff, v0;
	(pc) =	sbr.rel @p2 .LBB1_4-.Ltmp3, $4  }
0x34: {  	v0 =	vld [tilespmem:s21+$0x0];
	[tilespmem:s19+$0x0 ss:$0x81] =	vst.msk $0xffff, v2  }
0x35: {  	s19 =	sshra.s32 s22, $0x2;
	v2 =	vld [tilespmem:s21+$0xFFFFFFE0]  }
0x36: {  	s19 =	sadd.s32 s19, s18  }
0x37: {  	s21 =	sadd.s32 $0x40, s21;
	[tilespmem:s19+$0x1830 ss:$0x81] =	vst.msk $0xffff, v3  }
.Ltmp4:
0x38: {  	(pc) =	sbr.rel @p1 .LBB1_3-.Ltmp4, $4  }
0x39: {  	_ = 	snop  }
0x3a: {  	[tilespmem:s19+$0x810 ss:$0x81] =	vst.msk $0xffff, v1  }
0x3b: {  	[tilespmem:s19+$0x1020 ss:$0x81] =	vst.msk $0xffff, v0  }
0x3c: {  	s18 =	simm.s32 $0x1;
	p2 =	por $0x0, $0x0;
	[tilespmem:s19+$0x0 ss:$0x81] =	vst.msk $0xffff, v2  }
0x3d: {  	s16 =	sshll.u32 s13, $0x3;
	s17 =	sand.u32 $0x78, s13;
	s14 =	sshll.u32 s14, $0x11  }
.Ltmp5:
0x3e: {  	s30 =	sand.u32 $0x1F800, s13;
	s16 =	sand.u32 $0x3C00, s16;
	(pc) =	sbr.rel .LBB1_7-.Ltmp5, $4  }
0x3f: {  	s31 =	sand.u32 $0x7, s13;
	s14 =	sadd.s32 s3, s14;
	s16 =	sor.u32 s17, s16  }
0x40: {  	s13 =	sshll.u32 s31, $0x12;
	s14 =	sadd.s32 s30, s14;
	s16 =	sshrl.u32 s16, $0x3  }
0x41: {  	s13 =	sor.u32 $0x400, s13;
	s14 =	sadd.s32 s16, s14  }
0x42: {  	[hbm4b:s14+s13] =	stream.strided.scatter [tilespmem:s15], [sflag:$0x2], $0x4000, s9, s13, $0x20;
	[tilespmem:$0x10100] =	vst v63  }
.LBB1_8:
0x43: {  	_ =	sfence.sel $0x180000  }
0x44: {  	s2 =	simm.s32 $0x1;
	[bflag:$0x0] =	sbarrier.arrive $0xFFFF  }
0x45: {  	s31 =	simm.s32 $0x2;
	[sflag:s2] =	ssyncpa.u1 $0x1  }
0x46: {  	[sflag:s31] =	ssyncpa.u1 $0x1  }
0x47: {  	p0 =	sne.s32 s0, $0x0;
	_ =	strace $0x9000004A  }
0x48: {  	s0 =	sadd.s32 @!p0 $0x100000, s1;
	[bflag:$0x2] =	sbarrier.arrive $0xFFFF  }
0x49: {  	[sflag:s0] =	ssyncadd.tile.s32 @!p0 $0x1;
	_ =	shalt  }
.Lfunc_end1:
_tile_overlayer_lowered:
.L_overlay_start_2:
0x4a: {  	(tag) =	ssettag $0x2  }
0x4b: {  	s0 =	rddreg [dreg:$0x0];
	s2 =	stileid.u32  }
0x4c: {  	s1 =	rddreg [dreg:$0x1];
	p0 =	sne.s32 s2, $0x0  }
0x4d: {  	s3 =	rddreg [dreg:$0x2];
	[bflag:$0x3] =	sbarrier.arrive $0xFFFF;
	s2 =	simm.s32 @!p0 $0x1C01  }
0x4e: {  	[timem:s3], [sflag:s2] =	dma.local @!p0 [hbm:s0], s1  }
0x4f: {  	s0 =	simm.s32 @!p0 $0x1  }
0x50: {  	_ =	swait.ge @!p0 [sflag:s0], s1  }
0x51: {  	s1 =	ssub.s32 @!p0 $0x0, s1;
	[sflag:s0] =	ssyncset.done @!p0 $0x0  }
0x52: {  	[sflag:s0] =	ssyncadd.s32 @!p0 s1  }
0x53: {  	[bflag:$0x3] =	sbarrier.arrive $0xFFFF  }
0x54: {  	_ =	shalt  }

</sc_bundles>
